<compile_context>
chip_gen: v7x
topology: tpu7x:2x2x1
jax: 0.10.2.dev20260603
libtpu: 0.0.44.dev20260713+nightly
codegen_flags: <defaults>
</compile_context>

<pallas_src>
import functools
import math

import jax
import jax.numpy as jnp
from jax import lax
from jax.experimental import pallas as pl
from jax.experimental.pallas import tpu as pltpu
from jax.experimental.pallas import tpu_sc as plsc

D_MODEL = 64
_SCALE = math.sqrt(D_MODEL)
_CHUNK = 160
_NBUF = 4
_LOOK = 3

_SC_PARAMS = pltpu.CompilerParams(
    use_tc_tiling_on_sc=True,
    needs_layout_passes=False,
    skip_device_barrier=True,
    disable_semaphore_checks=True,
    disable_bounds_checks=True,
)


@functools.lru_cache(maxsize=None)
def _make_gather_kernel(n_rows: int):
    info = plsc.get_sparse_core_info()
    num_workers = info.num_cores * info.num_subcores
    rows_per_worker = n_rows // num_workers
    assert rows_per_worker * num_workers == n_rows
    n_chunks = rows_per_worker // _CHUNK
    assert n_chunks * _CHUNK == rows_per_worker
    assert n_chunks % _NBUF == 0 and n_chunks >= 2 * _NBUF

    mesh = plsc.VectorSubcoreMesh(core_axis_name="c", subcore_axis_name="s")

    @functools.partial(
        pl.kernel,
        mesh=mesh,
        out_type=jax.ShapeDtypeStruct((n_rows, D_MODEL), jnp.float32),
        scratch_types=(
            [pltpu.VMEM((_CHUNK,), jnp.int32) for _ in range(_NBUF)]
            + [pltpu.VMEM((_CHUNK, 128), jnp.float32) for _ in range(_NBUF)]
            + [pltpu.VMEM((_CHUNK, D_MODEL), jnp.float32) for _ in range(2)]
            + [pltpu.SemaphoreType.DMA for _ in range(_NBUF + 2)]
        ),
        compiler_params=_SC_PARAMS,
    )
    def gather_kernel(x_hbm, tab_hbm, out_hbm, *scratch):
        idx_bufs = scratch[:_NBUF]
        rows_bufs = scratch[_NBUF : 2 * _NBUF]
        out_bufs = scratch[2 * _NBUF : 2 * _NBUF + 2]
        gsems = scratch[2 * _NBUF + 2 : 3 * _NBUF + 2]
        osems = scratch[3 * _NBUF + 2 : 3 * _NBUF + 4]

        wid = lax.axis_index("s") * info.num_cores + lax.axis_index("c")
        base = wid * rows_per_worker

        def issue_gather(chunk, b):
            off = base + chunk * _CHUNK
            pltpu.sync_copy(x_hbm.at[pl.ds(off, _CHUNK)], idx_bufs[b])
            pltpu.async_copy(tab_hbm.at[idx_bufs[b]], rows_bufs[b], gsems[b])

        def wait_gather(b):
            pltpu.make_async_copy(
                tab_hbm.at[idx_bufs[b]], rows_bufs[b], gsems[b]
            ).wait()

        def issue_out(chunk, bo):
            off = base + chunk * _CHUNK
            pltpu.async_copy(
                out_bufs[bo], out_hbm.at[pl.ds(off, _CHUNK)], osems[bo]
            )

        def wait_out(bo):
            pltpu.make_async_copy(
                out_bufs[bo], out_hbm.at[pl.ds(0, _CHUNK)], osems[bo]
            ).wait()

        def scale_pass(b, bo):
            @plsc.parallel_loop(0, _CHUNK, unroll=8)
            def rbody(r):
                for k in range(D_MODEL // 16):
                    sl = (r, pl.ds(k * 16, 16))
                    out_bufs[bo][sl] = rows_bufs[b][sl] * _SCALE

        for i in range(_LOOK):
            issue_gather(i, i)

        def outer(it, carry):
            for b in range(_NBUF):
                i = it * _NBUF + b
                j = i + _LOOK
                bj = (b + _LOOK) % _NBUF
                bo = b % 2

                @pl.when(j < n_chunks)
                def _():
                    issue_gather(j, bj)

                wait_gather(b)

                @pl.when(i >= 2)
                def _():
                    wait_out(bo)

                scale_pass(b, bo)
                issue_out(i, bo)
            return carry

        lax.fori_loop(0, n_chunks // _NBUF, outer, 0)

        for bo in range(2):
            wait_out(bo)

    return gather_kernel


def kernel(x, lut):
    batch, seq = x.shape
    flat = x.reshape(batch * seq)
    tab = jnp.pad(lut, ((0, 0), (0, 128 - D_MODEL)))
    out = _make_gather_kernel(batch * seq)(flat, tab)
    return out.reshape(batch, seq, D_MODEL)

# --- scband reference (transcript-rebuilt; emitter-appended) ---
"""Pipeline reference for scband-embeddings-73770358276105 (READ-ONLY COPY).

The authoritative reference and input builder live on the scoring server;
editing this copy changes nothing except your own understanding.
"""

import jax, jax.numpy as jnp
import numpy as np
import math

D_MODEL = 64
VOCAB = 1000000

def setup_inputs(seed: int = 0) -> dict:
    key = jax.random.key(seed)
    k1, k2 = jax.random.split(key)
    x = jax.random.randint(k1, (4096, 200), 0, VOCAB, dtype=jnp.int64 if jax.config.jax_enable_x64 else jnp.int32)
    lut = jax.random.normal(k2, (VOCAB, D_MODEL), dtype=jnp.float32)
    return {"x": x, "lut": lut}

def reference(x, lut):
    # Embeddings.forward: self.lut(x) * math.sqrt(self.d_model)
    emb = jnp.take(lut, x, axis=0)
    return emb * math.sqrt(D_MODEL)

if __name__ == "__main__":
    import jax
    _d = setup_inputs()
    print(jax.jit(kernel)(*tuple(_d.values())))

</pallas_src>

<mosaic_0001>
#map = affine_map<(d0, d1) -> (0)>
#map1 = affine_map<(d0, d1) -> (0, 0)>
module attributes {stable_mosaic.version = 14 : i64} {
  func.func @gather_kernel(%arg0: i32, %arg1: i32, %arg2: memref<819200xi32, #tpu.memory_space<hbm>>, %arg3: memref<1000000x128xf32, #tpu.memory_space<hbm>>, %arg4: memref<819200x64xf32, #tpu.memory_space<hbm>>, %arg5: memref<160xi32, #tpu.memory_space<vmem>>, %arg6: memref<160xi32, #tpu.memory_space<vmem>>, %arg7: memref<160xi32, #tpu.memory_space<vmem>>, %arg8: memref<160xi32, #tpu.memory_space<vmem>>, %arg9: memref<160x128xf32, #tpu.memory_space<vmem>>, %arg10: memref<160x128xf32, #tpu.memory_space<vmem>>, %arg11: memref<160x128xf32, #tpu.memory_space<vmem>>, %arg12: memref<160x128xf32, #tpu.memory_space<vmem>>, %arg13: memref<160x64xf32, #tpu.memory_space<vmem>>, %arg14: memref<160x64xf32, #tpu.memory_space<vmem>>, %arg15: memref<!tpu.dma_semaphore, #tpu.memory_space<semaphore_mem>>, %arg16: memref<!tpu.dma_semaphore, #tpu.memory_space<semaphore_mem>>, %arg17: memref<!tpu.dma_semaphore, #tpu.memory_space<semaphore_mem>>, %arg18: memref<!tpu.dma_semaphore, #tpu.memory_space<semaphore_mem>>, %arg19: memref<!tpu.dma_semaphore, #tpu.memory_space<semaphore_mem>>, %arg20: memref<!tpu.dma_semaphore, #tpu.memory_space<semaphore_mem>>) attributes {dimension_semantics = [#tpu.dimension_semantics<core_parallel>, #tpu.dimension_semantics<subcore_parallel>], iteration_bounds = array<i64: 2, 16>, scalar_prefetch = 0 : i64, scratch_operands = 16 : i64, tpu.core_type = #tpu.core_type<sc_vector_subcore>, window_params = [{transform_indices = #map}, {transform_indices = #map1}, {transform_indices = #map1}]} {
    %mul3A = arith.constant 2 : i32
    %mul3A_0 = arith.muli %arg1, %mul3A : i32
    %add3A = arith.addi %mul3A_0, %arg0 : i32
    %mul3A_1 = arith.constant 25600 : i32
    %mul3A_2 = arith.muli %add3A, %mul3A_1 : i32
    %add3A_3 = arith.constant 0 : i32
    %add3A_4 = arith.addi %mul3A_2, %add3A_3 : i32
    "tpu.region"() ({
      %run_scoped3A = tpu.sem_alloc : memref<!tpu.dma_semaphore, #tpu.memory_space<semaphore_mem>>
      %dma_start3A_33 = tpu.memref_slice %arg2[%add3A_4] : memref<819200xi32, #tpu.memory_space<hbm>> -> memref<160xi32, #tpu.memory_space<hbm>>
      %dma_start3A_34 = tpu.memref_slice %arg2[%add3A_4] : memref<819200xi32, #tpu.memory_space<hbm>> -> memref<160xi32, #tpu.memory_space<hbm>>
      tpu.enqueue_dma source(%dma_start3A_34 : memref<160xi32, #tpu.memory_space<hbm>>) target(%arg5 : memref<160xi32, #tpu.memory_space<vmem>>) target_semaphore(%run_scoped3A : memref<!tpu.dma_semaphore, #tpu.memory_space<semaphore_mem>>)
      %dma_wait3A_35 = tpu.memref_slice %arg2[%add3A_4] : memref<819200xi32, #tpu.memory_space<hbm>> -> memref<160xi32, #tpu.memory_space<hbm>>
      %dma_wait3A_36 = tpu.memref_slice %arg2[%add3A_4] : memref<819200xi32, #tpu.memory_space<hbm>> -> memref<160xi32, #tpu.memory_space<hbm>>
      tpu.wait_dma2 semaphore(%run_scoped3A : memref<!tpu.dma_semaphore, #tpu.memory_space<semaphore_mem>>) src(%dma_wait3A_36 : memref<160xi32, #tpu.memory_space<hbm>>) dst(%arg5 : memref<160xi32, #tpu.memory_space<vmem>>)
      tpu.yield
    }) : () -> ()
    %dma_start3A = arith.constant 0 : i32
    %dma_start3A_5 = arith.constant 0 : i32
    %dma_start3A_6 = tpu.memref_slice %arg3[%dma_start3A, %dma_start3A_5] : memref<1000000x128xf32, #tpu.memory_space<hbm>> -> memref<1000000x128xf32, #tpu.memory_space<hbm>>
    tpu.enqueue_indirect_dma source(%dma_start3A_6 : memref<1000000x128xf32, #tpu.memory_space<hbm>>) target(%arg9 : memref<160x128xf32, #tpu.memory_space<vmem>>) offsets(%arg5 : memref<160xi32, #tpu.memory_space<vmem>>) semaphore(%arg15 : memref<!tpu.dma_semaphore, #tpu.memory_space<semaphore_mem>>)
    %add3A_7 = arith.constant 160 : i32
    %add3A_8 = arith.addi %mul3A_2, %add3A_7 : i32
    "tpu.region"() ({
      %run_scoped3A = tpu.sem_alloc : memref<!tpu.dma_semaphore, #tpu.memory_space<semaphore_mem>>
      %dma_start3A_33 = tpu.memref_slice %arg2[%add3A_8] : memref<819200xi32, #tpu.memory_space<hbm>> -> memref<160xi32, #tpu.memory_space<hbm>>
      %dma_start3A_34 = tpu.memref_slice %arg2[%add3A_8] : memref<819200xi32, #tpu.memory_space<hbm>> -> memref<160xi32, #tpu.memory_space<hbm>>
      tpu.enqueue_dma source(%dma_start3A_34 : memref<160xi32, #tpu.memory_space<hbm>>) target(%arg6 : memref<160xi32, #tpu.memory_space<vmem>>) target_semaphore(%run_scoped3A : memref<!tpu.dma_semaphore, #tpu.memory_space<semaphore_mem>>)
      %dma_wait3A_35 = tpu.memref_slice %arg2[%add3A_8] : memref<819200xi32, #tpu.memory_space<hbm>> -> memref<160xi32, #tpu.memory_space<hbm>>
      %dma_wait3A_36 = tpu.memref_slice %arg2[%add3A_8] : memref<819200xi32, #tpu.memory_space<hbm>> -> memref<160xi32, #tpu.memory_space<hbm>>
      tpu.wait_dma2 semaphore(%run_scoped3A : memref<!tpu.dma_semaphore, #tpu.memory_space<semaphore_mem>>) src(%dma_wait3A_36 : memref<160xi32, #tpu.memory_space<hbm>>) dst(%arg6 : memref<160xi32, #tpu.memory_space<vmem>>)
      tpu.yield
    }) : () -> ()
    %dma_start3A_9 = arith.constant 0 : i32
    %dma_start3A_10 = arith.constant 0 : i32
    %dma_start3A_11 = tpu.memref_slice %arg3[%dma_start3A_9, %dma_start3A_10] : memref<1000000x128xf32, #tpu.memory_space<hbm>> -> memref<1000000x128xf32, #tpu.memory_space<hbm>>
    tpu.enqueue_indirect_dma source(%dma_start3A_11 : memref<1000000x128xf32, #tpu.memory_space<hbm>>) target(%arg10 : memref<160x128xf32, #tpu.memory_space<vmem>>) offsets(%arg6 : memref<160xi32, #tpu.memory_space<vmem>>) semaphore(%arg16 : memref<!tpu.dma_semaphore, #tpu.memory_space<semaphore_mem>>)
    %add3A_12 = arith.constant 320 : i32
    %add3A_13 = arith.addi %mul3A_2, %add3A_12 : i32
    "tpu.region"() ({
      %run_scoped3A = tpu.sem_alloc : memref<!tpu.dma_semaphore, #tpu.memory_space<semaphore_mem>>
      %dma_start3A_33 = tpu.memref_slice %arg2[%add3A_13] : memref<819200xi32, #tpu.memory_space<hbm>> -> memref<160xi32, #tpu.memory_space<hbm>>
      %dma_start3A_34 = tpu.memref_slice %arg2[%add3A_13] : memref<819200xi32, #tpu.memory_space<hbm>> -> memref<160xi32, #tpu.memory_space<hbm>>
      tpu.enqueue_dma source(%dma_start3A_34 : memref<160xi32, #tpu.memory_space<hbm>>) target(%arg7 : memref<160xi32, #tpu.memory_space<vmem>>) target_semaphore(%run_scoped3A : memref<!tpu.dma_semaphore, #tpu.memory_space<semaphore_mem>>)
      %dma_wait3A_35 = tpu.memref_slice %arg2[%add3A_13] : memref<819200xi32, #tpu.memory_space<hbm>> -> memref<160xi32, #tpu.memory_space<hbm>>
      %dma_wait3A_36 = tpu.memref_slice %arg2[%add3A_13] : memref<819200xi32, #tpu.memory_space<hbm>> -> memref<160xi32, #tpu.memory_space<hbm>>
      tpu.wait_dma2 semaphore(%run_scoped3A : memref<!tpu.dma_semaphore, #tpu.memory_space<semaphore_mem>>) src(%dma_wait3A_36 : memref<160xi32, #tpu.memory_space<hbm>>) dst(%arg7 : memref<160xi32, #tpu.memory_space<vmem>>)
      tpu.yield
    }) : () -> ()
    %dma_start3A_14 = arith.constant 0 : i32
    %dma_start3A_15 = arith.constant 0 : i32
    %dma_start3A_16 = tpu.memref_slice %arg3[%dma_start3A_14, %dma_start3A_15] : memref<1000000x128xf32, #tpu.memory_space<hbm>> -> memref<1000000x128xf32, #tpu.memory_space<hbm>>
    tpu.enqueue_indirect_dma source(%dma_start3A_16 : memref<1000000x128xf32, #tpu.memory_space<hbm>>) target(%arg11 : memref<160x128xf32, #tpu.memory_space<vmem>>) offsets(%arg7 : memref<160xi32, #tpu.memory_space<vmem>>) semaphore(%arg17 : memref<!tpu.dma_semaphore, #tpu.memory_space<semaphore_mem>>)
    %scan3A = arith.constant 0 : i32
    %scan3A_17 = arith.constant 0 : i32
    %scan3A_18 = arith.constant 40 : i32
    %scan3A_19 = arith.addi %scan3A_17, %scan3A_18 : i32
    %scan3A_20 = arith.constant 1 : i32
    scf.for %scan3A_33 = %scan3A_17 to %scan3A_19 step %scan3A_20  : i32 {
      %mul3A_34 = arith.constant 4 : i32
      %mul3A_35 = arith.muli %scan3A_33, %mul3A_34 : i32
      %add3A_36 = arith.constant 0 : i32
      %add3A_37 = arith.addi %mul3A_35, %add3A_36 : i32
      %add3A_38 = arith.constant 3 : i32
      %add3A_39 = arith.addi %add3A_37, %add3A_38 : i32
      %lt3A = arith.constant 160 : i32
      %lt3A_40 = arith.cmpi slt, %add3A_39, %lt3A : i32
      %convert_element_type3A = arith.extui %lt3A_40 : i1 to i32
      %cond3A = arith.constant 0 : i32
      %cond3A_41 = arith.cmpi ne, %convert_element_type3A, %cond3A : i32
      scf.if %cond3A_41 {
        %mul3A_145 = arith.constant 160 : i32
        %mul3A_146 = arith.muli %add3A_39, %mul3A_145 : i32
        %add3A_147 = arith.addi %mul3A_2, %mul3A_146 : i32
        "tpu.region"() ({
          %run_scoped3A = tpu.sem_alloc : memref<!tpu.dma_semaphore, #tpu.memory_space<semaphore_mem>>
          %dma_start3A_151 = tpu.memref_slice %arg2[%add3A_147] : memref<819200xi32, #tpu.memory_space<hbm>> -> memref<160xi32, #tpu.memory_space<hbm>>
          %dma_start3A_152 = tpu.memref_slice %arg2[%add3A_147] : memref<819200xi32, #tpu.memory_space<hbm>> -> memref<160xi32, #tpu.memory_space<hbm>>
          tpu.enqueue_dma source(%dma_start3A_152 : memref<160xi32, #tpu.memory_space<hbm>>) target(%arg8 : memref<160xi32, #tpu.memory_space<vmem>>) target_semaphore(%run_scoped3A : memref<!tpu.dma_semaphore, #tpu.memory_space<semaphore_mem>>)
          %dma_wait3A_153 = tpu.memref_slice %arg2[%add3A_147] : memref<819200xi32, #tpu.memory_space<hbm>> -> memref<160xi32, #tpu.memory_space<hbm>>
          %dma_wait3A_154 = tpu.memref_slice %arg2[%add3A_147] : memref<819200xi32, #tpu.memory_space<hbm>> -> memref<160xi32, #tpu.memory_space<hbm>>
          tpu.wait_dma2 semaphore(%run_scoped3A : memref<!tpu.dma_semaphore, #tpu.memory_space<semaphore_mem>>) src(%dma_wait3A_154 : memref<160xi32, #tpu.memory_space<hbm>>) dst(%arg8 : memref<160xi32, #tpu.memory_space<vmem>>)
          tpu.yield
        }) : () -> ()
        %dma_start3A_148 = arith.constant 0 : i32
        %dma_start3A_149 = arith.constant 0 : i32
        %dma_start3A_150 = tpu.memref_slice %arg3[%dma_start3A_148, %dma_start3A_149] : memref<1000000x128xf32, #tpu.memory_space<hbm>> -> memref<1000000x128xf32, #tpu.memory_space<hbm>>
        tpu.enqueue_indirect_dma source(%dma_start3A_150 : memref<1000000x128xf32, #tpu.memory_space<hbm>>) target(%arg12 : memref<160x128xf32, #tpu.memory_space<vmem>>) offsets(%arg8 : memref<160xi32, #tpu.memory_space<vmem>>) semaphore(%arg18 : memref<!tpu.dma_semaphore, #tpu.memory_space<semaphore_mem>>)
      } else {
      }
      %dma_wait3A_42 = arith.constant 0 : i32
      %dma_wait3A_43 = arith.constant 0 : i32
      %dma_wait3A_44 = tpu.memref_slice %arg3[%dma_wait3A_42, %dma_wait3A_43] : memref<1000000x128xf32, #tpu.memory_space<hbm>> -> memref<1000000x128xf32, #tpu.memory_space<hbm>>
      tpu.wait_indirect_dma semaphore(%arg15 : memref<!tpu.dma_semaphore, #tpu.memory_space<semaphore_mem>>) src(%dma_wait3A_44 : memref<1000000x128xf32, #tpu.memory_space<hbm>>) dst(%arg9 : memref<160x128xf32, #tpu.memory_space<vmem>>)
      %ge3A = arith.constant 2 : i32
      %ge3A_45 = arith.cmpi sge, %add3A_37, %ge3A : i32
      %convert_element_type3A_46 = arith.extui %ge3A_45 : i1 to i32
      %cond3A_47 = arith.constant 0 : i32
      %cond3A_48 = arith.cmpi ne, %convert_element_type3A_46, %cond3A_47 : i32
      scf.if %cond3A_48 {
        %dma_wait3A_145 = arith.constant 0 : i32
        %dma_wait3A_146 = arith.constant 0 : i32
        %dma_wait3A_147 = tpu.memref_slice %arg4[%dma_wait3A_145, %dma_wait3A_146] : memref<819200x64xf32, #tpu.memory_space<hbm>> -> memref<160x64xf32, #tpu.memory_space<hbm>>
        %dma_wait3A_148 = arith.constant 0 : i32
        %dma_wait3A_149 = arith.constant 0 : i32
        %dma_wait3A_150 = tpu.memref_slice %arg4[%dma_wait3A_148, %dma_wait3A_149] : memref<819200x64xf32, #tpu.memory_space<hbm>> -> memref<160x64xf32, #tpu.memory_space<hbm>>
        tpu.wait_dma2 semaphore(%arg19 : memref<!tpu.dma_semaphore, #tpu.memory_space<semaphore_mem>>) src(%arg13 : memref<160x64xf32, #tpu.memory_space<vmem>>) dst(%dma_wait3A_150 : memref<160x64xf32, #tpu.memory_space<hbm>>)
      } else {
      }
      %parallel_loop3A = arith.constant 0 : i32
      %parallel_loop3A_49 = arith.constant 160 : i32
      %parallel_loop3A_50 = arith.constant 1 : i32
      scf.for %parallel_loop3A_145 = %parallel_loop3A to %parallel_loop3A_49 step %parallel_loop3A_50  : i32 {
        %parallel_loop3A_146 = arith.index_cast %parallel_loop3A_145 : i32 to index
        %parallel_loop3A_147 = arith.constant 0 : index
        %parallel_loop3A_148 = tpu.vector_load %arg9[%parallel_loop3A_146, %parallel_loop3A_147] {strides = array<i32>} : memref<160x128xf32, #tpu.memory_space<vmem>>, vector<16xf32>,
        %parallel_loop3A_149 = arith.constant 8.000000e+00 : f32
        %parallel_loop3A_150 = vector.broadcast %parallel_loop3A_149 : f32 to vector<16xf32>
        %parallel_loop3A_151 = arith.mulf %parallel_loop3A_148, %parallel_loop3A_150 : vector<16xf32>
        %parallel_loop3A_152 = arith.index_cast %parallel_loop3A_145 : i32 to index
        %parallel_loop3A_153 = arith.constant 0 : index
        %parallel_loop3A_154 = tpu.vector_load %arg13[%parallel_loop3A_152, %parallel_loop3A_153] {strides = array<i32>} : memref<160x64xf32, #tpu.memory_space<vmem>>, vector<16xf32>,
        tpu.vector_store %arg13[%parallel_loop3A_152, %parallel_loop3A_153], %parallel_loop3A_151 {strides = array<i32>} : memref<160x64xf32, #tpu.memory_space<vmem>>, vector<16xf32>,
        %parallel_loop3A_155 = arith.index_cast %parallel_loop3A_145 : i32 to index
        %parallel_loop3A_156 = arith.constant 16 : index
        %parallel_loop3A_157 = tpu.vector_load %arg9[%parallel_loop3A_155, %parallel_loop3A_156] {strides = array<i32>} : memref<160x128xf32, #tpu.memory_space<vmem>>, vector<16xf32>,
        %parallel_loop3A_158 = arith.constant 8.000000e+00 : f32
        %parallel_loop3A_159 = vector.broadcast %parallel_loop3A_158 : f32 to vector<16xf32>
        %parallel_loop3A_160 = arith.mulf %parallel_loop3A_157, %parallel_loop3A_159 : vector<16xf32>
        %parallel_loop3A_161 = arith.index_cast %parallel_loop3A_145 : i32 to index
        %parallel_loop3A_162 = arith.constant 16 : index
        %parallel_loop3A_163 = tpu.vector_load %arg13[%parallel_loop3A_161, %parallel_loop3A_162] {strides = array<i32>} : memref<160x64xf32, #tpu.memory_space<vmem>>, vector<16xf32>,
        tpu.vector_store %arg13[%parallel_loop3A_161, %parallel_loop3A_162], %parallel_loop3A_160 {strides = array<i32>} : memref<160x64xf32, #tpu.memory_space<vmem>>, vector<16xf32>,
        %parallel_loop3A_164 = arith.index_cast %parallel_loop3A_145 : i32 to index
        %parallel_loop3A_165 = arith.constant 32 : index
        %parallel_loop3A_166 = tpu.vector_load %arg9[%parallel_loop3A_164, %parallel_loop3A_165] {strides = array<i32>} : memref<160x128xf32, #tpu.memory_space<vmem>>, vector<16xf32>,
        %parallel_loop3A_167 = arith.constant 8.000000e+00 : f32
        %parallel_loop3A_168 = vector.broadcast %parallel_loop3A_167 : f32 to vector<16xf32>
        %parallel_loop3A_169 = arith.mulf %parallel_loop3A_166, %parallel_loop3A_168 : vector<16xf32>
        %parallel_loop3A_170 = arith.index_cast %parallel_loop3A_145 : i32 to index
        %parallel_loop3A_171 = arith.constant 32 : index
        %parallel_loop3A_172 = tpu.vector_load %arg13[%parallel_loop3A_170, %parallel_loop3A_171] {strides = array<i32>} : memref<160x64xf32, #tpu.memory_space<vmem>>, vector<16xf32>,
        tpu.vector_store %arg13[%parallel_loop3A_170, %parallel_loop3A_171], %parallel_loop3A_169 {strides = array<i32>} : memref<160x64xf32, #tpu.memory_space<vmem>>, vector<16xf32>,
        %parallel_loop3A_173 = arith.index_cast %parallel_loop3A_145 : i32 to index
        %parallel_loop3A_174 = arith.constant 48 : index
        %parallel_loop3A_175 = tpu.vector_load %arg9[%parallel_loop3A_173, %parallel_loop3A_174] {strides = array<i32>} : memref<160x128xf32, #tpu.memory_space<vmem>>, vector<16xf32>,
        %parallel_loop3A_176 = arith.constant 8.000000e+00 : f32
        %parallel_loop3A_177 = vector.broadcast %parallel_loop3A_176 : f32 to vector<16xf32>
        %parallel_loop3A_178 = arith.mulf %parallel_loop3A_175, %parallel_loop3A_177 : vector<16xf32>
        %parallel_loop3A_179 = arith.index_cast %parallel_loop3A_145 : i32 to index
        %parallel_loop3A_180 = arith.constant 48 : index
        %parallel_loop3A_181 = tpu.vector_load %arg13[%parallel_loop3A_179, %parallel_loop3A_180] {strides = array<i32>} : memref<160x64xf32, #tpu.memory_space<vmem>>, vector<16xf32>,
        tpu.vector_store %arg13[%parallel_loop3A_179, %parallel_loop3A_180], %parallel_loop3A_178 {strides = array<i32>} : memref<160x64xf32, #tpu.memory_space<vmem>>, vector<16xf32>,
      } {sc.loop_unroll_factor = 8 : i64, sc.parallel_access}
      %mul3A_51 = arith.constant 160 : i32
      %mul3A_52 = arith.muli %add3A_37, %mul3A_51 : i32
      %add3A_53 = arith.addi %mul3A_2, %mul3A_52 : i32
      %dma_start3A_54 = arith.constant 0 : i32
      %dma_start3A_55 = tpu.memref_slice %arg4[%add3A_53, %dma_start3A_54] : memref<819200x64xf32, #tpu.memory_space<hbm>> -> memref<160x64xf32, #tpu.memory_space<hbm>>
      %dma_start3A_56 = arith.constant 0 : i32
      %dma_start3A_57 = tpu.memref_slice %arg4[%add3A_53, %dma_start3A_56] : memref<819200x64xf32, #tpu.memory_space<hbm>> -> memref<160x64xf32, #tpu.memory_space<hbm>>
      tpu.enqueue_dma source(%arg13 : memref<160x64xf32, #tpu.memory_space<vmem>>) target(%dma_start3A_57 : memref<160x64xf32, #tpu.memory_space<hbm>>) target_semaphore(%arg19 : memref<!tpu.dma_semaphore, #tpu.memory_space<semaphore_mem>>)
      %mul3A_58 = arith.constant 4 : i32
      %mul3A_59 = arith.muli %scan3A_33, %mul3A_58 : i32
      %add3A_60 = arith.constant 1 : i32
      %add3A_61 = arith.addi %mul3A_59, %add3A_60 : i32
      %add3A_62 = arith.constant 3 : i32
      %add3A_63 = arith.addi %add3A_61, %add3A_62 : i32
      %lt3A_64 = arith.constant 160 : i32
      %lt3A_65 = arith.cmpi slt, %add3A_63, %lt3A_64 : i32
      %convert_element_type3A_66 = arith.extui %lt3A_65 : i1 to i32
      %cond3A_67 = arith.constant 0 : i32
      %cond3A_68 = arith.cmpi ne, %convert_element_type3A_66, %cond3A_67 : i32
      scf.if %cond3A_68 {
        %mul3A_145 = arith.constant 160 : i32
        %mul3A_146 = arith.muli %add3A_63, %mul3A_145 : i32
        %add3A_147 = arith.addi %mul3A_2, %mul3A_146 : i32
        "tpu.region"() ({
          %run_scoped3A = tpu.sem_alloc : memref<!tpu.dma_semaphore, #tpu.memory_space<semaphore_mem>>
          %dma_start3A_151 = tpu.memref_slice %arg2[%add3A_147] : memref<819200xi32, #tpu.memory_space<hbm>> -> memref<160xi32, #tpu.memory_space<hbm>>
          %dma_start3A_152 = tpu.memref_slice %arg2[%add3A_147] : memref<819200xi32, #tpu.memory_space<hbm>> -> memref<160xi32, #tpu.memory_space<hbm>>
          tpu.enqueue_dma source(%dma_start3A_152 : memref<160xi32, #tpu.memory_space<hbm>>) target(%arg5 : memref<160xi32, #tpu.memory_space<vmem>>) target_semaphore(%run_scoped3A : memref<!tpu.dma_semaphore, #tpu.memory_space<semaphore_mem>>)
          %dma_wait3A_153 = tpu.memref_slice %arg2[%add3A_147] : memref<819200xi32, #tpu.memory_space<hbm>> -> memref<160xi32, #tpu.memory_space<hbm>>
          %dma_wait3A_154 = tpu.memref_slice %arg2[%add3A_147] : memref<819200xi32, #tpu.memory_space<hbm>> -> memref<160xi32, #tpu.memory_space<hbm>>
          tpu.wait_dma2 semaphore(%run_scoped3A : memref<!tpu.dma_semaphore, #tpu.memory_space<semaphore_mem>>) src(%dma_wait3A_154 : memref<160xi32, #tpu.memory_space<hbm>>) dst(%arg5 : memref<160xi32, #tpu.memory_space<vmem>>)
          tpu.yield
        }) : () -> ()
        %dma_start3A_148 = arith.constant 0 : i32
        %dma_start3A_149 = arith.constant 0 : i32
        %dma_start3A_150 = tpu.memref_slice %arg3[%dma_start3A_148, %dma_start3A_149] : memref<1000000x128xf32, #tpu.memory_space<hbm>> -> memref<1000000x128xf32, #tpu.memory_space<hbm>>
        tpu.enqueue_indirect_dma source(%dma_start3A_150 : memref<1000000x128xf32, #tpu.memory_space<hbm>>) target(%arg9 : memref<160x128xf32, #tpu.memory_space<vmem>>) offsets(%arg5 : memref<160xi32, #tpu.memory_space<vmem>>) semaphore(%arg15 : memref<!tpu.dma_semaphore, #tpu.memory_space<semaphore_mem>>)
      } else {
      }
      %dma_wait3A_69 = arith.constant 0 : i32
      %dma_wait3A_70 = arith.constant 0 : i32
      %dma_wait3A_71 = tpu.memref_slice %arg3[%dma_wait3A_69, %dma_wait3A_70] : memref<1000000x128xf32, #tpu.memory_space<hbm>> -> memref<1000000x128xf32, #tpu.memory_space<hbm>>
      tpu.wait_indirect_dma semaphore(%arg16 : memref<!tpu.dma_semaphore, #tpu.memory_space<semaphore_mem>>) src(%dma_wait3A_71 : memref<1000000x128xf32, #tpu.memory_space<hbm>>) dst(%arg10 : memref<160x128xf32, #tpu.memory_space<vmem>>)
      %ge3A_72 = arith.constant 2 : i32
      %ge3A_73 = arith.cmpi sge, %add3A_61, %ge3A_72 : i32
      %convert_element_type3A_74 = arith.extui %ge3A_73 : i1 to i32
      %cond3A_75 = arith.constant 0 : i32
      %cond3A_76 = arith.cmpi ne, %convert_element_type3A_74, %cond3A_75 : i32
      scf.if %cond3A_76 {
        %dma_wait3A_145 = arith.constant 0 : i32
        %dma_wait3A_146 = arith.constant 0 : i32
        %dma_wait3A_147 = tpu.memref_slice %arg4[%dma_wait3A_145, %dma_wait3A_146] : memref<819200x64xf32, #tpu.memory_space<hbm>> -> memref<160x64xf32, #tpu.memory_space<hbm>>
        %dma_wait3A_148 = arith.constant 0 : i32
        %dma_wait3A_149 = arith.constant 0 : i32
        %dma_wait3A_150 = tpu.memref_slice %arg4[%dma_wait3A_148, %dma_wait3A_149] : memref<819200x64xf32, #tpu.memory_space<hbm>> -> memref<160x64xf32, #tpu.memory_space<hbm>>
        tpu.wait_dma2 semaphore(%arg20 : memref<!tpu.dma_semaphore, #tpu.memory_space<semaphore_mem>>) src(%arg14 : memref<160x64xf32, #tpu.memory_space<vmem>>) dst(%dma_wait3A_150 : memref<160x64xf32, #tpu.memory_space<hbm>>)
      } else {
      }
      %parallel_loop3A_77 = arith.constant 0 : i32
      %parallel_loop3A_78 = arith.constant 160 : i32
      %parallel_loop3A_79 = arith.constant 1 : i32
      scf.for %parallel_loop3A_145 = %parallel_loop3A_77 to %parallel_loop3A_78 step %parallel_loop3A_79  : i32 {
        %parallel_loop3A_146 = arith.index_cast %parallel_loop3A_145 : i32 to index
        %parallel_loop3A_147 = arith.constant 0 : index
        %parallel_loop3A_148 = tpu.vector_load %arg10[%parallel_loop3A_146, %parallel_loop3A_147] {strides = array<i32>} : memref<160x128xf32, #tpu.memory_space<vmem>>, vector<16xf32>,
        %parallel_loop3A_149 = arith.constant 8.000000e+00 : f32
        %parallel_loop3A_150 = vector.broadcast %parallel_loop3A_149 : f32 to vector<16xf32>
        %parallel_loop3A_151 = arith.mulf %parallel_loop3A_148, %parallel_loop3A_150 : vector<16xf32>
        %parallel_loop3A_152 = arith.index_cast %parallel_loop3A_145 : i32 to index
        %parallel_loop3A_153 = arith.constant 0 : index
        %parallel_loop3A_154 = tpu.vector_load %arg14[%parallel_loop3A_152, %parallel_loop3A_153] {strides = array<i32>} : memref<160x64xf32, #tpu.memory_space<vmem>>, vector<16xf32>,
        tpu.vector_store %arg14[%parallel_loop3A_152, %parallel_loop3A_153], %parallel_loop3A_151 {strides = array<i32>} : memref<160x64xf32, #tpu.memory_space<vmem>>, vector<16xf32>,
        %parallel_loop3A_155 = arith.index_cast %parallel_loop3A_145 : i32 to index
        %parallel_loop3A_156 = arith.constant 16 : index
        %parallel_loop3A_157 = tpu.vector_load %arg10[%parallel_loop3A_155, %parallel_loop3A_156] {strides = array<i32>} : memref<160x128xf32, #tpu.memory_space<vmem>>, vector<16xf32>,
        %parallel_loop3A_158 = arith.constant 8.000000e+00 : f32
        %parallel_loop3A_159 = vector.broadcast %parallel_loop3A_158 : f32 to vector<16xf32>
        %parallel_loop3A_160 = arith.mulf %parallel_loop3A_157, %parallel_loop3A_159 : vector<16xf32>
        %parallel_loop3A_161 = arith.index_cast %parallel_loop3A_145 : i32 to index
        %parallel_loop3A_162 = arith.constant 16 : index
        %parallel_loop3A_163 = tpu.vector_load %arg14[%parallel_loop3A_161, %parallel_loop3A_162] {strides = array<i32>} : memref<160x64xf32, #tpu.memory_space<vmem>>, vector<16xf32>,
        tpu.vector_store %arg14[%parallel_loop3A_161, %parallel_loop3A_162], %parallel_loop3A_160 {strides = array<i32>} : memref<160x64xf32, #tpu.memory_space<vmem>>, vector<16xf32>,
        %parallel_loop3A_164 = arith.index_cast %parallel_loop3A_145 : i32 to index
        %parallel_loop3A_165 = arith.constant 32 : index
        %parallel_loop3A_166 = tpu.vector_load %arg10[%parallel_loop3A_164, %parallel_loop3A_165] {strides = array<i32>} : memref<160x128xf32, #tpu.memory_space<vmem>>, vector<16xf32>,
        %parallel_loop3A_167 = arith.constant 8.000000e+00 : f32
        %parallel_loop3A_168 = vector.broadcast %parallel_loop3A_167 : f32 to vector<16xf32>
        %parallel_loop3A_169 = arith.mulf %parallel_loop3A_166, %parallel_loop3A_168 : vector<16xf32>
        %parallel_loop3A_170 = arith.index_cast %parallel_loop3A_145 : i32 to index
        %parallel_loop3A_171 = arith.constant 32 : index
        %parallel_loop3A_172 = tpu.vector_load %arg14[%parallel_loop3A_170, %parallel_loop3A_171] {strides = array<i32>} : memref<160x64xf32, #tpu.memory_space<vmem>>, vector<16xf32>,
        tpu.vector_store %arg14[%parallel_loop3A_170, %parallel_loop3A_171], %parallel_loop3A_169 {strides = array<i32>} : memref<160x64xf32, #tpu.memory_space<vmem>>, vector<16xf32>,
        %parallel_loop3A_173 = arith.index_cast %parallel_loop3A_145 : i32 to index
        %parallel_loop3A_174 = arith.constant 48 : index
        %parallel_loop3A_175 = tpu.vector_load %arg10[%parallel_loop3A_173, %parallel_loop3A_174] {strides = array<i32>} : memref<160x128xf32, #tpu.memory_space<vmem>>, vector<16xf32>,
        %parallel_loop3A_176 = arith.constant 8.000000e+00 : f32
        %parallel_loop3A_177 = vector.broadcast %parallel_loop3A_176 : f32 to vector<16xf32>
        %parallel_loop3A_178 = arith.mulf %parallel_loop3A_175, %parallel_loop3A_177 : vector<16xf32>
        %parallel_loop3A_179 = arith.index_cast %parallel_loop3A_145 : i32 to index
        %parallel_loop3A_180 = arith.constant 48 : index
        %parallel_loop3A_181 = tpu.vector_load %arg14[%parallel_loop3A_179, %parallel_loop3A_180] {strides = array<i32>} : memref<160x64xf32, #tpu.memory_space<vmem>>, vector<16xf32>,
        tpu.vector_store %arg14[%parallel_loop3A_179, %parallel_loop3A_180], %parallel_loop3A_178 {strides = array<i32>} : memref<160x64xf32, #tpu.memory_space<vmem>>, vector<16xf32>,
      } {sc.loop_unroll_factor = 8 : i64, sc.parallel_access}
      %mul3A_80 = arith.constant 160 : i32
      %mul3A_81 = arith.muli %add3A_61, %mul3A_80 : i32
      %add3A_82 = arith.addi %mul3A_2, %mul3A_81 : i32
      %dma_start3A_83 = arith.constant 0 : i32
      %dma_start3A_84 = tpu.memref_slice %arg4[%add3A_82, %dma_start3A_83] : memref<819200x64xf32, #tpu.memory_space<hbm>> -> memref<160x64xf32, #tpu.memory_space<hbm>>
      %dma_start3A_85 = arith.constant 0 : i32
      %dma_start3A_86 = tpu.memref_slice %arg4[%add3A_82, %dma_start3A_85] : memref<819200x64xf32, #tpu.memory_space<hbm>> -> memref<160x64xf32, #tpu.memory_space<hbm>>
      tpu.enqueue_dma source(%arg14 : memref<160x64xf32, #tpu.memory_space<vmem>>) target(%dma_start3A_86 : memref<160x64xf32, #tpu.memory_space<hbm>>) target_semaphore(%arg20 : memref<!tpu.dma_semaphore, #tpu.memory_space<semaphore_mem>>)
      %mul3A_87 = arith.constant 4 : i32
      %mul3A_88 = arith.muli %scan3A_33, %mul3A_87 : i32
      %add3A_89 = arith.constant 2 : i32
      %add3A_90 = arith.addi %mul3A_88, %add3A_89 : i32
      %add3A_91 = arith.constant 3 : i32
      %add3A_92 = arith.addi %add3A_90, %add3A_91 : i32
      %lt3A_93 = arith.constant 160 : i32
      %lt3A_94 = arith.cmpi slt, %add3A_92, %lt3A_93 : i32
      %convert_element_type3A_95 = arith.extui %lt3A_94 : i1 to i32
      %cond3A_96 = arith.constant 0 : i32
      %cond3A_97 = arith.cmpi ne, %convert_element_type3A_95, %cond3A_96 : i32
      scf.if %cond3A_97 {
        %mul3A_145 = arith.constant 160 : i32
        %mul3A_146 = arith.muli %add3A_92, %mul3A_145 : i32
        %add3A_147 = arith.addi %mul3A_2, %mul3A_146 : i32
        "tpu.region"() ({
          %run_scoped3A = tpu.sem_alloc : memref<!tpu.dma_semaphore, #tpu.memory_space<semaphore_mem>>
          %dma_start3A_151 = tpu.memref_slice %arg2[%add3A_147] : memref<819200xi32, #tpu.memory_space<hbm>> -> memref<160xi32, #tpu.memory_space<hbm>>
          %dma_start3A_152 = tpu.memref_slice %arg2[%add3A_147] : memref<819200xi32, #tpu.memory_space<hbm>> -> memref<160xi32, #tpu.memory_space<hbm>>
          tpu.enqueue_dma source(%dma_start3A_152 : memref<160xi32, #tpu.memory_space<hbm>>) target(%arg6 : memref<160xi32, #tpu.memory_space<vmem>>) target_semaphore(%run_scoped3A : memref<!tpu.dma_semaphore, #tpu.memory_space<semaphore_mem>>)
          %dma_wait3A_153 = tpu.memref_slice %arg2[%add3A_147] : memref<819200xi32, #tpu.memory_space<hbm>> -> memref<160xi32, #tpu.memory_space<hbm>>
          %dma_wait3A_154 = tpu.memref_slice %arg2[%add3A_147] : memref<819200xi32, #tpu.memory_space<hbm>> -> memref<160xi32, #tpu.memory_space<hbm>>
          tpu.wait_dma2 semaphore(%run_scoped3A : memref<!tpu.dma_semaphore, #tpu.memory_space<semaphore_mem>>) src(%dma_wait3A_154 : memref<160xi32, #tpu.memory_space<hbm>>) dst(%arg6 : memref<160xi32, #tpu.memory_space<vmem>>)
          tpu.yield
        }) : () -> ()
        %dma_start3A_148 = arith.constant 0 : i32
        %dma_start3A_149 = arith.constant 0 : i32
        %dma_start3A_150 = tpu.memref_slice %arg3[%dma_start3A_148, %dma_start3A_149] : memref<1000000x128xf32, #tpu.memory_space<hbm>> -> memref<1000000x128xf32, #tpu.memory_space<hbm>>
        tpu.enqueue_indirect_dma source(%dma_start3A_150 : memref<1000000x128xf32, #tpu.memory_space<hbm>>) target(%arg10 : memref<160x128xf32, #tpu.memory_space<vmem>>) offsets(%arg6 : memref<160xi32, #tpu.memory_space<vmem>>) semaphore(%arg16 : memref<!tpu.dma_semaphore, #tpu.memory_space<semaphore_mem>>)
      } else {
      }
      %dma_wait3A_98 = arith.constant 0 : i32
      %dma_wait3A_99 = arith.constant 0 : i32
      %dma_wait3A_100 = tpu.memref_slice %arg3[%dma_wait3A_98, %dma_wait3A_99] : memref<1000000x128xf32, #tpu.memory_space<hbm>> -> memref<1000000x128xf32, #tpu.memory_space<hbm>>
      tpu.wait_indirect_dma semaphore(%arg17 : memref<!tpu.dma_semaphore, #tpu.memory_space<semaphore_mem>>) src(%dma_wait3A_100 : memref<1000000x128xf32, #tpu.memory_space<hbm>>) dst(%arg11 : memref<160x128xf32, #tpu.memory_space<vmem>>)
      %ge3A_101 = arith.constant 2 : i32
      %ge3A_102 = arith.cmpi sge, %add3A_90, %ge3A_101 : i32
      %convert_element_type3A_103 = arith.extui %ge3A_102 : i1 to i32
      %cond3A_104 = arith.constant 0 : i32
      %cond3A_105 = arith.cmpi ne, %convert_element_type3A_103, %cond3A_104 : i32
      scf.if %cond3A_105 {
        %dma_wait3A_145 = arith.constant 0 : i32
        %dma_wait3A_146 = arith.constant 0 : i32
        %dma_wait3A_147 = tpu.memref_slice %arg4[%dma_wait3A_145, %dma_wait3A_146] : memref<819200x64xf32, #tpu.memory_space<hbm>> -> memref<160x64xf32, #tpu.memory_space<hbm>>
        %dma_wait3A_148 = arith.constant 0 : i32
        %dma_wait3A_149 = arith.constant 0 : i32
        %dma_wait3A_150 = tpu.memref_slice %arg4[%dma_wait3A_148, %dma_wait3A_149] : memref<819200x64xf32, #tpu.memory_space<hbm>> -> memref<160x64xf32, #tpu.memory_space<hbm>>
        tpu.wait_dma2 semaphore(%arg19 : memref<!tpu.dma_semaphore, #tpu.memory_space<semaphore_mem>>) src(%arg13 : memref<160x64xf32, #tpu.memory_space<vmem>>) dst(%dma_wait3A_150 : memref<160x64xf32, #tpu.memory_space<hbm>>)
      } else {
      }
      %parallel_loop3A_106 = arith.constant 0 : i32
      %parallel_loop3A_107 = arith.constant 160 : i32
      %parallel_loop3A_108 = arith.constant 1 : i32
      scf.for %parallel_loop3A_145 = %parallel_loop3A_106 to %parallel_loop3A_107 step %parallel_loop3A_108  : i32 {
        %parallel_loop3A_146 = arith.index_cast %parallel_loop3A_145 : i32 to index
        %parallel_loop3A_147 = arith.constant 0 : index
        %parallel_loop3A_148 = tpu.vector_load %arg11[%parallel_loop3A_146, %parallel_loop3A_147] {strides = array<i32>} : memref<160x128xf32, #tpu.memory_space<vmem>>, vector<16xf32>,
        %parallel_loop3A_149 = arith.constant 8.000000e+00 : f32
        %parallel_loop3A_150 = vector.broadcast %parallel_loop3A_149 : f32 to vector<16xf32>
        %parallel_loop3A_151 = arith.mulf %parallel_loop3A_148, %parallel_loop3A_150 : vector<16xf32>
        %parallel_loop3A_152 = arith.index_cast %parallel_loop3A_145 : i32 to index
        %parallel_loop3A_153 = arith.constant 0 : index
        %parallel_loop3A_154 = tpu.vector_load %arg13[%parallel_loop3A_152, %parallel_loop3A_153] {strides = array<i32>} : memref<160x64xf32, #tpu.memory_space<vmem>>, vector<16xf32>,
        tpu.vector_store %arg13[%parallel_loop3A_152, %parallel_loop3A_153], %parallel_loop3A_151 {strides = array<i32>} : memref<160x64xf32, #tpu.memory_space<vmem>>, vector<16xf32>,
        %parallel_loop3A_155 = arith.index_cast %parallel_loop3A_145 : i32 to index
        %parallel_loop3A_156 = arith.constant 16 : index
        %parallel_loop3A_157 = tpu.vector_load %arg11[%parallel_loop3A_155, %parallel_loop3A_156] {strides = array<i32>} : memref<160x128xf32, #tpu.memory_space<vmem>>, vector<16xf32>,
        %parallel_loop3A_158 = arith.constant 8.000000e+00 : f32
        %parallel_loop3A_159 = vector.broadcast %parallel_loop3A_158 : f32 to vector<16xf32>
        %parallel_loop3A_160 = arith.mulf %parallel_loop3A_157, %parallel_loop3A_159 : vector<16xf32>
        %parallel_loop3A_161 = arith.index_cast %parallel_loop3A_145 : i32 to index
        %parallel_loop3A_162 = arith.constant 16 : index
        %parallel_loop3A_163 = tpu.vector_load %arg13[%parallel_loop3A_161, %parallel_loop3A_162] {strides = array<i32>} : memref<160x64xf32, #tpu.memory_space<vmem>>, vector<16xf32>,
        tpu.vector_store %arg13[%parallel_loop3A_161, %parallel_loop3A_162], %parallel_loop3A_160 {strides = array<i32>} : memref<160x64xf32, #tpu.memory_space<vmem>>, vector<16xf32>,
        %parallel_loop3A_164 = arith.index_cast %parallel_loop3A_145 : i32 to index
        %parallel_loop3A_165 = arith.constant 32 : index
        %parallel_loop3A_166 = tpu.vector_load %arg11[%parallel_loop3A_164, %parallel_loop3A_165] {strides = array<i32>} : memref<160x128xf32, #tpu.memory_space<vmem>>, vector<16xf32>,
        %parallel_loop3A_167 = arith.constant 8.000000e+00 : f32
        %parallel_loop3A_168 = vector.broadcast %parallel_loop3A_167 : f32 to vector<16xf32>
        %parallel_loop3A_169 = arith.mulf %parallel_loop3A_166, %parallel_loop3A_168 : vector<16xf32>
        %parallel_loop3A_170 = arith.index_cast %parallel_loop3A_145 : i32 to index
        %parallel_loop3A_171 = arith.constant 32 : index
        %parallel_loop3A_172 = tpu.vector_load %arg13[%parallel_loop3A_170, %parallel_loop3A_171] {strides = array<i32>} : memref<160x64xf32, #tpu.memory_space<vmem>>, vector<16xf32>,
        tpu.vector_store %arg13[%parallel_loop3A_170, %parallel_loop3A_171], %parallel_loop3A_169 {strides = array<i32>} : memref<160x64xf32, #tpu.memory_space<vmem>>, vector<16xf32>,
        %parallel_loop3A_173 = arith.index_cast %parallel_loop3A_145 : i32 to index
        %parallel_loop3A_174 = arith.constant 48 : index
        %parallel_loop3A_175 = tpu.vector_load %arg11[%parallel_loop3A_173, %parallel_loop3A_174] {strides = array<i32>} : memref<160x128xf32, #tpu.memory_space<vmem>>, vector<16xf32>,
        %parallel_loop3A_176 = arith.constant 8.000000e+00 : f32
        %parallel_loop3A_177 = vector.broadcast %parallel_loop3A_176 : f32 to vector<16xf32>
        %parallel_loop3A_178 = arith.mulf %parallel_loop3A_175, %parallel_loop3A_177 : vector<16xf32>
        %parallel_loop3A_179 = arith.index_cast %parallel_loop3A_145 : i32 to index
        %parallel_loop3A_180 = arith.constant 48 : index
        %parallel_loop3A_181 = tpu.vector_load %arg13[%parallel_loop3A_179, %parallel_loop3A_180] {strides = array<i32>} : memref<160x64xf32, #tpu.memory_space<vmem>>, vector<16xf32>,
        tpu.vector_store %arg13[%parallel_loop3A_179, %parallel_loop3A_180], %parallel_loop3A_178 {strides = array<i32>} : memref<160x64xf32, #tpu.memory_space<vmem>>, vector<16xf32>,
      } {sc.loop_unroll_factor = 8 : i64, sc.parallel_access}
      %mul3A_109 = arith.constant 160 : i32
      %mul3A_110 = arith.muli %add3A_90, %mul3A_109 : i32
      %add3A_111 = arith.addi %mul3A_2, %mul3A_110 : i32
      %dma_start3A_112 = arith.constant 0 : i32
      %dma_start3A_113 = tpu.memref_slice %arg4[%add3A_111, %dma_start3A_112] : memref<819200x64xf32, #tpu.memory_space<hbm>> -> memref<160x64xf32, #tpu.memory_space<hbm>>
      %dma_start3A_114 = arith.constant 0 : i32
      %dma_start3A_115 = tpu.memref_slice %arg4[%add3A_111, %dma_start3A_114] : memref<819200x64xf32, #tpu.memory_space<hbm>> -> memref<160x64xf32, #tpu.memory_space<hbm>>
      tpu.enqueue_dma source(%arg13 : memref<160x64xf32, #tpu.memory_space<vmem>>) target(%dma_start3A_115 : memref<160x64xf32, #tpu.memory_space<hbm>>) target_semaphore(%arg19 : memref<!tpu.dma_semaphore, #tpu.memory_space<semaphore_mem>>)
      %mul3A_116 = arith.constant 4 : i32
      %mul3A_117 = arith.muli %scan3A_33, %mul3A_116 : i32
      %add3A_118 = arith.constant 3 : i32
      %add3A_119 = arith.addi %mul3A_117, %add3A_118 : i32
      %add3A_120 = arith.constant 3 : i32
      %add3A_121 = arith.addi %add3A_119, %add3A_120 : i32
      %lt3A_122 = arith.constant 160 : i32
      %lt3A_123 = arith.cmpi slt, %add3A_121, %lt3A_122 : i32
      %convert_element_type3A_124 = arith.extui %lt3A_123 : i1 to i32
      %cond3A_125 = arith.constant 0 : i32
      %cond3A_126 = arith.cmpi ne, %convert_element_type3A_124, %cond3A_125 : i32
      scf.if %cond3A_126 {
        %mul3A_145 = arith.constant 160 : i32
        %mul3A_146 = arith.muli %add3A_121, %mul3A_145 : i32
        %add3A_147 = arith.addi %mul3A_2, %mul3A_146 : i32
        "tpu.region"() ({
          %run_scoped3A = tpu.sem_alloc : memref<!tpu.dma_semaphore, #tpu.memory_space<semaphore_mem>>
          %dma_start3A_151 = tpu.memref_slice %arg2[%add3A_147] : memref<819200xi32, #tpu.memory_space<hbm>> -> memref<160xi32, #tpu.memory_space<hbm>>
          %dma_start3A_152 = tpu.memref_slice %arg2[%add3A_147] : memref<819200xi32, #tpu.memory_space<hbm>> -> memref<160xi32, #tpu.memory_space<hbm>>
          tpu.enqueue_dma source(%dma_start3A_152 : memref<160xi32, #tpu.memory_space<hbm>>) target(%arg7 : memref<160xi32, #tpu.memory_space<vmem>>) target_semaphore(%run_scoped3A : memref<!tpu.dma_semaphore, #tpu.memory_space<semaphore_mem>>)
          %dma_wait3A_153 = tpu.memref_slice %arg2[%add3A_147] : memref<819200xi32, #tpu.memory_space<hbm>> -> memref<160xi32, #tpu.memory_space<hbm>>
          %dma_wait3A_154 = tpu.memref_slice %arg2[%add3A_147] : memref<819200xi32, #tpu.memory_space<hbm>> -> memref<160xi32, #tpu.memory_space<hbm>>
          tpu.wait_dma2 semaphore(%run_scoped3A : memref<!tpu.dma_semaphore, #tpu.memory_space<semaphore_mem>>) src(%dma_wait3A_154 : memref<160xi32, #tpu.memory_space<hbm>>) dst(%arg7 : memref<160xi32, #tpu.memory_space<vmem>>)
          tpu.yield
        }) : () -> ()
        %dma_start3A_148 = arith.constant 0 : i32
        %dma_start3A_149 = arith.constant 0 : i32
        %dma_start3A_150 = tpu.memref_slice %arg3[%dma_start3A_148, %dma_start3A_149] : memref<1000000x128xf32, #tpu.memory_space<hbm>> -> memref<1000000x128xf32, #tpu.memory_space<hbm>>
        tpu.enqueue_indirect_dma source(%dma_start3A_150 : memref<1000000x128xf32, #tpu.memory_space<hbm>>) target(%arg11 : memref<160x128xf32, #tpu.memory_space<vmem>>) offsets(%arg7 : memref<160xi32, #tpu.memory_space<vmem>>) semaphore(%arg17 : memref<!tpu.dma_semaphore, #tpu.memory_space<semaphore_mem>>)
      } else {
      }
      %dma_wait3A_127 = arith.constant 0 : i32
      %dma_wait3A_128 = arith.constant 0 : i32
      %dma_wait3A_129 = tpu.memref_slice %arg3[%dma_wait3A_127, %dma_wait3A_128] : memref<1000000x128xf32, #tpu.memory_space<hbm>> -> memref<1000000x128xf32, #tpu.memory_space<hbm>>
      tpu.wait_indirect_dma semaphore(%arg18 : memref<!tpu.dma_semaphore, #tpu.memory_space<semaphore_mem>>) src(%dma_wait3A_129 : memref<1000000x128xf32, #tpu.memory_space<hbm>>) dst(%arg12 : memref<160x128xf32, #tpu.memory_space<vmem>>)
      %ge3A_130 = arith.constant 2 : i32
      %ge3A_131 = arith.cmpi sge, %add3A_119, %ge3A_130 : i32
      %convert_element_type3A_132 = arith.extui %ge3A_131 : i1 to i32
      %cond3A_133 = arith.constant 0 : i32
      %cond3A_134 = arith.cmpi ne, %convert_element_type3A_132, %cond3A_133 : i32
      scf.if %cond3A_134 {
        %dma_wait3A_145 = arith.constant 0 : i32
        %dma_wait3A_146 = arith.constant 0 : i32
        %dma_wait3A_147 = tpu.memref_slice %arg4[%dma_wait3A_145, %dma_wait3A_146] : memref<819200x64xf32, #tpu.memory_space<hbm>> -> memref<160x64xf32, #tpu.memory_space<hbm>>
        %dma_wait3A_148 = arith.constant 0 : i32
        %dma_wait3A_149 = arith.constant 0 : i32
        %dma_wait3A_150 = tpu.memref_slice %arg4[%dma_wait3A_148, %dma_wait3A_149] : memref<819200x64xf32, #tpu.memory_space<hbm>> -> memref<160x64xf32, #tpu.memory_space<hbm>>
        tpu.wait_dma2 semaphore(%arg20 : memref<!tpu.dma_semaphore, #tpu.memory_space<semaphore_mem>>) src(%arg14 : memref<160x64xf32, #tpu.memory_space<vmem>>) dst(%dma_wait3A_150 : memref<160x64xf32, #tpu.memory_space<hbm>>)
      } else {
      }
      %parallel_loop3A_135 = arith.constant 0 : i32
      %parallel_loop3A_136 = arith.constant 160 : i32
      %parallel_loop3A_137 = arith.constant 1 : i32
      scf.for %parallel_loop3A_145 = %parallel_loop3A_135 to %parallel_loop3A_136 step %parallel_loop3A_137  : i32 {
        %parallel_loop3A_146 = arith.index_cast %parallel_loop3A_145 : i32 to index
        %parallel_loop3A_147 = arith.constant 0 : index
        %parallel_loop3A_148 = tpu.vector_load %arg12[%parallel_loop3A_146, %parallel_loop3A_147] {strides = array<i32>} : memref<160x128xf32, #tpu.memory_space<vmem>>, vector<16xf32>,
        %parallel_loop3A_149 = arith.constant 8.000000e+00 : f32
        %parallel_loop3A_150 = vector.broadcast %parallel_loop3A_149 : f32 to vector<16xf32>
        %parallel_loop3A_151 = arith.mulf %parallel_loop3A_148, %parallel_loop3A_150 : vector<16xf32>
        %parallel_loop3A_152 = arith.index_cast %parallel_loop3A_145 : i32 to index
        %parallel_loop3A_153 = arith.constant 0 : index
        %parallel_loop3A_154 = tpu.vector_load %arg14[%parallel_loop3A_152, %parallel_loop3A_153] {strides = array<i32>} : memref<160x64xf32, #tpu.memory_space<vmem>>, vector<16xf32>,
        tpu.vector_store %arg14[%parallel_loop3A_152, %parallel_loop3A_153], %parallel_loop3A_151 {strides = array<i32>} : memref<160x64xf32, #tpu.memory_space<vmem>>, vector<16xf32>,
        %parallel_loop3A_155 = arith.index_cast %parallel_loop3A_145 : i32 to index
        %parallel_loop3A_156 = arith.constant 16 : index
        %parallel_loop3A_157 = tpu.vector_load %arg12[%parallel_loop3A_155, %parallel_loop3A_156] {strides = array<i32>} : memref<160x128xf32, #tpu.memory_space<vmem>>, vector<16xf32>,
        %parallel_loop3A_158 = arith.constant 8.000000e+00 : f32
        %parallel_loop3A_159 = vector.broadcast %parallel_loop3A_158 : f32 to vector<16xf32>
        %parallel_loop3A_160 = arith.mulf %parallel_loop3A_157, %parallel_loop3A_159 : vector<16xf32>
        %parallel_loop3A_161 = arith.index_cast %parallel_loop3A_145 : i32 to index
        %parallel_loop3A_162 = arith.constant 16 : index
        %parallel_loop3A_163 = tpu.vector_load %arg14[%parallel_loop3A_161, %parallel_loop3A_162] {strides = array<i32>} : memref<160x64xf32, #tpu.memory_space<vmem>>, vector<16xf32>,
        tpu.vector_store %arg14[%parallel_loop3A_161, %parallel_loop3A_162], %parallel_loop3A_160 {strides = array<i32>} : memref<160x64xf32, #tpu.memory_space<vmem>>, vector<16xf32>,
        %parallel_loop3A_164 = arith.index_cast %parallel_loop3A_145 : i32 to index
        %parallel_loop3A_165 = arith.constant 32 : index
        %parallel_loop3A_166 = tpu.vector_load %arg12[%parallel_loop3A_164, %parallel_loop3A_165] {strides = array<i32>} : memref<160x128xf32, #tpu.memory_space<vmem>>, vector<16xf32>,
        %parallel_loop3A_167 = arith.constant 8.000000e+00 : f32
        %parallel_loop3A_168 = vector.broadcast %parallel_loop3A_167 : f32 to vector<16xf32>
        %parallel_loop3A_169 = arith.mulf %parallel_loop3A_166, %parallel_loop3A_168 : vector<16xf32>
        %parallel_loop3A_170 = arith.index_cast %parallel_loop3A_145 : i32 to index
        %parallel_loop3A_171 = arith.constant 32 : index
        %parallel_loop3A_172 = tpu.vector_load %arg14[%parallel_loop3A_170, %parallel_loop3A_171] {strides = array<i32>} : memref<160x64xf32, #tpu.memory_space<vmem>>, vector<16xf32>,
        tpu.vector_store %arg14[%parallel_loop3A_170, %parallel_loop3A_171], %parallel_loop3A_169 {strides = array<i32>} : memref<160x64xf32, #tpu.memory_space<vmem>>, vector<16xf32>,
        %parallel_loop3A_173 = arith.index_cast %parallel_loop3A_145 : i32 to index
        %parallel_loop3A_174 = arith.constant 48 : index
        %parallel_loop3A_175 = tpu.vector_load %arg12[%parallel_loop3A_173, %parallel_loop3A_174] {strides = array<i32>} : memref<160x128xf32, #tpu.memory_space<vmem>>, vector<16xf32>,
        %parallel_loop3A_176 = arith.constant 8.000000e+00 : f32
        %parallel_loop3A_177 = vector.broadcast %parallel_loop3A_176 : f32 to vector<16xf32>
        %parallel_loop3A_178 = arith.mulf %parallel_loop3A_175, %parallel_loop3A_177 : vector<16xf32>
        %parallel_loop3A_179 = arith.index_cast %parallel_loop3A_145 : i32 to index
        %parallel_loop3A_180 = arith.constant 48 : index
        %parallel_loop3A_181 = tpu.vector_load %arg14[%parallel_loop3A_179, %parallel_loop3A_180] {strides = array<i32>} : memref<160x64xf32, #tpu.memory_space<vmem>>, vector<16xf32>,
        tpu.vector_store %arg14[%parallel_loop3A_179, %parallel_loop3A_180], %parallel_loop3A_178 {strides = array<i32>} : memref<160x64xf32, #tpu.memory_space<vmem>>, vector<16xf32>,
      } {sc.loop_unroll_factor = 8 : i64, sc.parallel_access}
      %mul3A_138 = arith.constant 160 : i32
      %mul3A_139 = arith.muli %add3A_119, %mul3A_138 : i32
      %add3A_140 = arith.addi %mul3A_2, %mul3A_139 : i32
      %dma_start3A_141 = arith.constant 0 : i32
      %dma_start3A_142 = tpu.memref_slice %arg4[%add3A_140, %dma_start3A_141] : memref<819200x64xf32, #tpu.memory_space<hbm>> -> memref<160x64xf32, #tpu.memory_space<hbm>>
      %dma_start3A_143 = arith.constant 0 : i32
      %dma_start3A_144 = tpu.memref_slice %arg4[%add3A_140, %dma_start3A_143] : memref<819200x64xf32, #tpu.memory_space<hbm>> -> memref<160x64xf32, #tpu.memory_space<hbm>>
      tpu.enqueue_dma source(%arg14 : memref<160x64xf32, #tpu.memory_space<vmem>>) target(%dma_start3A_144 : memref<160x64xf32, #tpu.memory_space<hbm>>) target_semaphore(%arg20 : memref<!tpu.dma_semaphore, #tpu.memory_space<semaphore_mem>>)
    }
    %scan3A_21 = arith.constant 40 : i32
    %dma_wait3A = arith.constant 0 : i32
    %dma_wait3A_22 = arith.constant 0 : i32
    %dma_wait3A_23 = tpu.memref_slice %arg4[%dma_wait3A, %dma_wait3A_22] : memref<819200x64xf32, #tpu.memory_space<hbm>> -> memref<160x64xf32, #tpu.memory_space<hbm>>
    %dma_wait3A_24 = arith.constant 0 : i32
    %dma_wait3A_25 = arith.constant 0 : i32
    %dma_wait3A_26 = tpu.memref_slice %arg4[%dma_wait3A_24, %dma_wait3A_25] : memref<819200x64xf32, #tpu.memory_space<hbm>> -> memref<160x64xf32, #tpu.memory_space<hbm>>
    tpu.wait_dma2 semaphore(%arg19 : memref<!tpu.dma_semaphore, #tpu.memory_space<semaphore_mem>>) src(%arg13 : memref<160x64xf32, #tpu.memory_space<vmem>>) dst(%dma_wait3A_26 : memref<160x64xf32, #tpu.memory_space<hbm>>)
    %dma_wait3A_27 = arith.constant 0 : i32
    %dma_wait3A_28 = arith.constant 0 : i32
    %dma_wait3A_29 = tpu.memref_slice %arg4[%dma_wait3A_27, %dma_wait3A_28] : memref<819200x64xf32, #tpu.memory_space<hbm>> -> memref<160x64xf32, #tpu.memory_space<hbm>>
    %dma_wait3A_30 = arith.constant 0 : i32
    %dma_wait3A_31 = arith.constant 0 : i32
    %dma_wait3A_32 = tpu.memref_slice %arg4[%dma_wait3A_30, %dma_wait3A_31] : memref<819200x64xf32, #tpu.memory_space<hbm>> -> memref<160x64xf32, #tpu.memory_space<hbm>>
    tpu.wait_dma2 semaphore(%arg20 : memref<!tpu.dma_semaphore, #tpu.memory_space<semaphore_mem>>) src(%arg14 : memref<160x64xf32, #tpu.memory_space<vmem>>) dst(%dma_wait3A_32 : memref<160x64xf32, #tpu.memory_space<hbm>>)
    return
  }
}

</mosaic_0001>

<sc_bundles>
// kernel: kernel.3.cloned.1.call-start
scs
__scs_entry_jumppad:
0x0: {  	(pc) =	sbr.rel $0x88, $3  }
0x1: {  	(tag) =	ssettag $0x0;
	lr =	simm.s32 $0x1  }
0x2: {  	[smem:$0x3F9F] =	sst lr;
	_ =	strace $0xD0000000  }
0x3: {  	_ = 	snop  }
0x4: {  	_ = 	snop  }
0x5: {  	_ = 	snop  }
0x6: {  	_ = 	snop  }
0x7: {  	_ = 	snop  }
__scs_overlays_trampoline_lowered:
0x8: {  	[smem:$0x3FAE] =	sst s0  }
0x9: {  	[smem:$0x3FAF] =	sst s1  }
0xa: {  	[smem:$0x3FB0] =	sst s2  }
0xb: {  	[smem:$0x3FB1] =	sst s3  }
0xc: {  	[smem:$0x3FB2] =	sst s4  }
0xd: {  	[smem:$0x3FB3] =	sst s5  }
0xe: {  	[smem:$0x3FB4] =	sst s6  }
0xf: {  	[smem:$0x3FB5] =	sst s7  }
0x10: {  	[smem:$0x3FB6] =	sst s8  }
0x11: {  	[smem:$0x3FB7] =	sst s9;
	s0 =	simm.s32 @!p0 $0x0  }
0x12: {  	s1 =	sld [smem:$0x3F9D];
	s0 =	simm.s32 @p0 $0x1  }
0x13: {  	[smem:$0x3FB8] =	sst s0;
	s0 =	simm.s32 @!p1 $0x0  }
0x14: {  	s2 =	sld [smem:$0x3F9C];
	s0 =	simm.s32 @p1 $0x1  }
0x15: {  	[smem:$0x3FB9] =	sst s0;
	s0 =	simm.s32 @!p2 $0x0  }
0x16: {  	s3 =	sld [smem:$0x3FDB];
	s0 =	simm.s32 @p2 $0x1  }
0x17: {  	s4 =	simm.s32 $0x1BF5;
	[smem:$0x3FBB] =	sst s0  }
0x18: {  	s0 =	sld [smem:$0x3F9E];
	_ =	swait.ge [sflag:s4], $0x0  }
0x19: {  	s7 =	sld [smem:$0x3F9F]  }
0x1a: {  	s8 =	sadd.s32 $0xFFFFE003, lr  }
0x1b: {  	s9 =	sadd.s32 $0xFFFFFEF7, lr;
	s5 =	simm.s32 $0xFFFFFFFF;
	p2 =	slt.u32 s8, $0xFFFFF086  }
0x1c: {  	p1 =	slt.u32 s9, $0xF7A;
	s5 =	simm.s32 @!p2 $0x0  }
0x1d: {  	s5 =	simm.s32 @p1 $0x1;
	p0 =	seq.s32 s7, s2  }
0x1e: {  	s7 =	smul.u32 @!p0 $0xF7A, s2;
	p2 =	seq.s32 @!p0 s5, $0x0  }
0x1f: {  	s9 =	smul.u32 $0xF7A, s1;
	s8 =	simm.s32 @!p0 $0x1BF5;
	p2 =	por !p2, p0  }
0x20: {  	[sflag:s8] =	ssyncset.s32 @!p0 $0xFFFFF086;
	s6 =	sadd.s32 @!p0 s3, s7;
	s7 =	simm.s32 @!p0 $0x108  }
0x21: {  	s3 =	sadd.s32 s3, s9;
	s6 =	sadd.s32 @!p0 $0x88, s6;
	s7 =	simm.s32 @p2 $0x1082  }
0x22: {  	[simem:s7], [sflag:s8] =	dma.local @!p0 [hbm:s6], $0xF7A  }
0x23: {  	s9 =	sor.u32 $0xD0000000, s2;
	s6 =	simm.s32 $0x108;
	_ =	swait.ge @!p0 [sflag:s8], $0x0  }
0x24: {  	s3 =	sadd.s32 $0x88, s3;
	s6 =	simm.s32 @!p1 $0x1082;
	[sflag:s4] =	ssyncset.s32 $0xFFFFF086  }
0x25: {  	[simem:s6], [sflag:s4] =	dma.local [hbm:s3], $0xF7A  }
0x26: {  	[smem:$0x3F9F] =	sst s1;
	(tag) =	ssettag s2;
	_ =	strace s9  }
0x27: {  	s1 =	sld [smem:$0x3FAF]  }
0x28: {  	s2 =	sld [smem:$0x3FB0]  }
0x29: {  	s4 =	sld [smem:$0x3FB2]  }
0x2a: {  	p0 =	seq.s32 s5, $0x0;
	s5 =	sld [smem:$0x3FB3]  }
0x2b: {  	s6 =	sld [smem:$0x3FB4]  }
0x2c: {  	s7 =	sld [smem:$0x3FB5]  }
0x2d: {  	s3 =	simm.s32 $0x108;
	s8 =	sld [smem:$0x3FB6]  }
0x2e: {  	s3 =	simm.s32 @!p0 $0x1082;
	s9 =	sld [smem:$0x3FB7]  }
0x2f: {  	lr =	sadd.s32 s0, s3;
	s0 =	sld [smem:$0x3FAE]  }
0x30: {  	s3 =	sld [smem:$0x3FB1]  }
0x31: {  	[smem:$0x3FBA] =	sst s10  }
0x32: {  	s10 =	sld [smem:$0x3FB8];
	_ =	sdelay $0x3  }
0x33: {  	p0 =	seq.s32 s10, $0x1;
	s10 =	sld [smem:$0x3FBA];
	_ =	sdelay $0x3  }
0x34: {  	[smem:$0x3FBA] =	sst s10  }
0x35: {  	s10 =	sld [smem:$0x3FB9];
	_ =	sdelay $0x3  }
0x36: {  	p1 =	seq.s32 s10, $0x1;
	s10 =	sld [smem:$0x3FBA];
	_ =	sdelay $0x3  }
0x37: {  	[smem:$0x3FBA] =	sst s10  }
0x38: {  	s10 =	sld [smem:$0x3FBB]  }
0x39: {  	_ = 	snop;
	(pc) =	sbr.ind lr, $3  }
0x3a: {  	_ = 	snop  }
0x3b: {  	_ = 	snop  }
0x3c: {  	p2 =	seq.s32 s10, $0x1;
	s10 =	sld [smem:$0x3FBA]  }
0x3d: {  	_ =	shalt  }
0x3e: {  	_ =	shalt  }
0x3f: {  	_ =	shalt  }
0x40: {  	_ =	shalt  }
0x41: {  	_ =	shalt  }
0x42: {  	_ =	shalt  }
0x43: {  	_ =	shalt  }
0x44: {  	_ =	shalt  }
0x45: {  	_ =	shalt  }
0x46: {  	_ =	shalt  }
0x47: {  	_ =	shalt  }
0x48: {  	_ =	shalt  }
0x49: {  	_ =	shalt  }
0x4a: {  	_ =	shalt  }
0x4b: {  	_ =	shalt  }
0x4c: {  	_ =	shalt  }
0x4d: {  	_ =	shalt  }
0x4e: {  	_ =	shalt  }
0x4f: {  	_ =	shalt  }
0x50: {  	_ =	shalt  }
0x51: {  	_ =	shalt  }
0x52: {  	_ =	shalt  }
0x53: {  	_ =	shalt  }
0x54: {  	_ =	shalt  }
0x55: {  	_ =	shalt  }
0x56: {  	_ =	shalt  }
0x57: {  	_ =	shalt  }
0x58: {  	_ =	shalt  }
0x59: {  	_ =	shalt  }
0x5a: {  	_ =	shalt  }
0x5b: {  	_ =	shalt  }
0x5c: {  	_ =	shalt  }
0x5d: {  	_ =	shalt  }
0x5e: {  	_ =	shalt  }
0x5f: {  	_ =	shalt  }
0x60: {  	_ =	shalt  }
0x61: {  	_ =	shalt  }
0x62: {  	_ =	shalt  }
0x63: {  	_ =	shalt  }
0x64: {  	_ =	shalt  }
0x65: {  	_ =	shalt  }
0x66: {  	_ =	shalt  }
0x67: {  	_ =	shalt  }
0x68: {  	_ =	shalt  }
0x69: {  	_ =	shalt  }
0x6a: {  	_ =	shalt  }
0x6b: {  	_ =	shalt  }
0x6c: {  	_ =	shalt  }
0x6d: {  	_ =	shalt  }
0x6e: {  	_ =	shalt  }
0x6f: {  	_ =	shalt  }
0x70: {  	_ =	shalt  }
0x71: {  	_ =	shalt  }
0x72: {  	_ =	shalt  }
0x73: {  	_ =	shalt  }
0x74: {  	_ =	shalt  }
0x75: {  	_ =	shalt  }
0x76: {  	_ =	shalt  }
0x77: {  	_ =	shalt  }
0x78: {  	_ =	shalt  }
0x79: {  	_ =	shalt  }
0x7a: {  	_ =	shalt  }
0x7b: {  	_ =	shalt  }
0x7c: {  	_ =	shalt  }
0x7d: {  	_ =	shalt  }
0x7e: {  	_ =	shalt  }
0x7f: {  	_ =	shalt  }
0x80: {  	_ =	shalt  }
0x81: {  	_ =	shalt  }
0x82: {  	_ =	shalt  }
0x83: {  	_ =	shalt  }
0x84: {  	_ =	shalt  }
0x85: {  	_ =	shalt  }
0x86: {  	_ =	shalt  }
0x87: {  	_ =	shalt  }
.Lfunc_end0:
.L_simem_size_0:
called_computation.1_lowered:
.L_overlay_start_0:
0x88: {  	s2 =	sld [smem:$0x3FD9]  }
0x89: {  	s3 =	sld [smem:$0x3FFE];
	_ =	sdelay $0x1  }
0x8a: {  	s1 =	srdreg.scid  }
0x8b: {  	s0 =	sand.u32 $0x1, s1  }
0x8c: {  	s17 =	sshll.u32 s0, $0xA;
	s2 =	sadd.s32 s3, s2  }
0x8d: {  	s2 =	sadd.s32 s2, s17  }
0x8e: {  	[smem:$0x3FC6] =	sst s2  }
0x8f: {  	_ = 	snop  }
0x90: {  	s2 =	sld [smem:$0x3FD0];
	(tm) =	ssettm $0x1  }
0x91: {  	s18 =	sld [smem:$0x3FFB];
	_ =	sdelay $0x3  }
0x92: {  	_ =	strace s18  }
0x93: {  	s3 =	sld [smem:$0x3FFC];
	_ =	sdelay $0x3  }
0x94: {  	_ =	strace s3  }
0x95: {  	s3 =	sld [smem:$0x3FFD];
	_ =	sdelay $0x3  }
0x96: {  	_ =	strace s3  }
0x97: {  	_ =	strace $0x8FFFFFFF  }
0x98: {  	s19 =	sld [smem:$0x3FDB];
	_ =	sdelay $0x1  }
0x99: {  	s4 =	simm.s32 $_scs_section_size  }
0x9a: {  	s5 =	simm.s32 $_size__tile_overlayer_lowered;
	s6 =	simm.s32 $_tile_overlayer_lowered  }
0x9b: {  	s22 =	simm.s32 $0x1BFF;
	s21 =	sshll.u32 s6, $0x1;
	s3 =	sadd.s32 s4, s19  }
0x9c: {  	s7 =	simm.s32 $0x0;
	s20 =	sshll.u32 s5, $0x1;
	s5 =	sadd.s32 s21, s3  }
0x9d: {  	[timem:s7], [sflag:s22] =	dma.local [hbm:s5], s20  }
0x9e: {  	_ =	swait.ge [sflag:s22], s20  }
0x9f: {  	s4 =	ssub.s32 $0x0, s20;
	[sflag:s22] =	ssyncset.done $0x0  }
0xa0: {  	[sflag:s22] =	ssyncadd.s32 s4;
	_ =	sdelay $0x1  }
0xa1: {  	s23 =	simm.s32 $0x1B8B  }
0xa2: {  	_ =	swait.ge [sflag:s23], $0x1  }
0xa3: {  	[sflag:s23] =	ssyncset.done $0x0  }
0xa4: {  	s25 =	simm.s32 $0x1B8E;
	s24 =	sld [smem:$0x3FFE];
	[sflag:s23] =	ssyncadd.s32 $0xFFFFFFFF  }
0xa5: {  	s26 =	simm.s32 $execute0_lowered;
	[smem:$0x3FD2] =	sst s25  }
0xa6: {  	s5 =	sshll.u32 s26, $0x1;
	_ =	strace $0x80000046;
	[dreg:$0x1] =	wrdreg $0xFFFFFFFF  }
0xa7: {  	s28 =	simm.s32 $_size_execute0_lowered;
	s3 =	sadd.s32 s3, s5;
	[dreg:$0x0] =	wrdreg $0x0  }
0xa8: {  	s5 =	sshll.u32 s28, $0x1;
	[dreg:$0x2] =	wrdreg s3  }
0xa9: {  	[dreg:$0x3] =	wrdreg s5  }
0xaa: {  	[dreg:$0x4] =	wrdreg $0xC0  }
0xab: {  	_ =	task [dreg:s7], $0x5FFFF  }
0xac: {  	[dreg:$0x1] =	wrdreg $0xFFFFFFFF  }
0xad: {  	[dreg:$0x0] =	wrdreg $0x60  }
0xae: {  	[dreg:$0x2] =	wrdreg s2  }
0xaf: {  	[dreg:$0x3] =	wrdreg s24  }
0xb0: {  	[dreg:$0x4] =	wrdreg $0x9  }
0xb1: {  	_ =	task.clear_ibuf [dreg:s7], $0x5FFFF;
	_ =	strace $0x90000046  }
0xb2: {  	s29 =	simm.s32 $0x9;
	_ =	strace $0x80000048  }
0xb3: {  	_ =	swait.ge [sflag:s29], $0x1  }
0xb4: {  	[sflag:s29] =	ssyncadd.s32 $0xFFFFFFFF  }
0xb5: {  	_ =	strace $0x90000048  }
0xb6: {  	_ =	sfence  }
0xb7: {  	s30 =	sld [smem:$0x0];
	_ =	sdelay $0x2  }
0xb8: {  	s31 =	sshll.u32 s1, $0xD;
	s1 =	sshrl.u32 s1, $0x2  }
0xb9: {  	s3 =	sand.u32 $0x4000, s31;
	s1 =	sadd.s32 s1, s30  }
0xba: {  	s0 =	sor.u32 s3, s0;
	s1 =	sshll.u32 s1, $0x11  }
0xbb: {  	s0 =	sor.u32 s1, s0  }
0xbc: {  	s0 =	sadd.s32 $0x8F2B, s0  }
0xbd: {  	[sflag:s0] =	ssyncadd.remote.s32 $0x1  }
0xbe: {  	_ =	sfence.sel $0xFFFF  }
0xbf: {  	[dreg:$0x0] =	wrdreg $0xFFFFFFFF;
	(pc) =	sbr.abs _section_cstart, $3  }
0xc0: {  	[dreg:$0x1] =	wrdreg $0xFFFFFFFF  }
0xc1: {  	_ =	task.clear_ibuf [dreg:s7], $0x2FFFF;
	_ =	strace $0x9FFFFFFF  }
0xc2: {  	(tm) =	ssettm $0x7FFFFFFF  }
0xc3: {  	_ =	shalt  }
tec
execute0_lowered:
.L_overlay_start_1:
0x0: {  	(tag) =	ssettag $0x1  }
0x1: {  	s2 =	rddreg [dreg:$0x0]  }
0x2: {  	s0 =	srdreg.scid;
	s3 =	stileid.u32  }
0x3: {  	s1 =	rddreg [dreg:$0x1];
	s17 =	simm.s32 $0x7;
	s18 =	simm.s32 $0xA0  }
0x4: {  	s19 =	simm.s32 $0x400;
	s24 =	simm.s32 $0x300;
	s28 =	simm.s32 $0x14400  }
0x5: {  	s29 =	simm.s32 $0x2;
	s30 =	simm.s32 $0x6;
	s31 =	simm.s32 $0x19400  }
0x6: {  	s21 =	simm.s32 $0x4;
	s0 =	sand.u32 $0x1, s0;
	s4 =	sshll.u32 s3, $0x1  }
0x7: {  	s23 =	simm.s32 $0x0;
	s3 =	simm.s32 $0x0;
	s4 =	sor.u32 s0, s4  }
0x8: {  	s5 =	sadd.s32 $0xF42E00, s1;
	s0 =	ssub.s32 $0x2, s0;
	s4 =	smul.u32 $0x6400, s4  }
0x9: {  	s6 =	sadd.s32 $0xA00, s1;
	[smem:$0x7FF] =	sst s3;
	s7 =	sshrl.u32 s0, $0x1  }
0xa: {  	_ =	strace $0x80000047;
	s0 =	ssub.s32 s0, s7;
	s8 =	sshrl.u32 s4, $0x3  }
0xb: {  	s10 =	sor.u32 $0x1E0, s4;
	s11 =	sor.u32 $0x280, s4;
	s12 =	sor.u32 $0xA0, s4  }
0xc: {  	s13 =	sor.u32 $0x320, s4;
	s14 =	sor.u32 $0x140, s4;
	s0 =	smax.u32 s0, $0x1  }
0xd: {  	s15 =	sor.u32 $0x3C0, s4;
	s25 =	sadd.s32 s2, s8;
	[dreg:$0x6] =	wrdreg s0  }
0xe: {  	s0 =	simm.s32 $0x5;
	s26 =	sadd.s32 $0x14, s25;
	[dreg:$0x3] =	wrdreg s25  }
0xf: {  	s1 =	sadd.s32 $0x28, s25;
	s25 =	simm.s32 $0xF400;
	[dreg:$0x4] =	wrdreg s26  }
0x10: {  	[dreg:$0x5] =	wrdreg s1;
	s26 =	simm.s32 $0x1;
	s1 =	simm.s32 $0x3  }
.LBB2_1:
0x11: {  	s7 =	rddreg [dreg:$0x3]  }
0x12: {  	[tilespmem:s3], [sflag:$0x7] =	stream.linear.gather [hbm4b:s7+s3], $0xA0, $0x38;
	[tilespmem:$0x1E400] =	vst v63  }
0x13: {  	_ =	swait.ge [sflag:s17], $0xA0  }
0x14: {  	[sflag:s17] =	ssyncset.done $0x0  }
0x15: {  	[sflag:s17] =	ssyncadd.s32 $0xFFFFFF60  }
0x16: {  	[tilespmem:s19], [sflag:$0x1] =	stream.indirect.gather [hbm4b:s5+s18], $0x80, s3, s18, $0xb8;
	[tilespmem:$0x1E400] =	vst v63  }
0x17: {  	s8 =	simm.s32 $0x100;
	s22 =	rddreg [dreg:$0x4]  }
0x18: {  	[tilespmem:s8], [sflag:$0x7] =	stream.linear.gather [hbm4b:s22+s3], $0xA0, $0x38;
	[tilespmem:$0x1E400] =	vst v63  }
0x19: {  	_ =	swait.ge [sflag:s17], $0xA0  }
0x1a: {  	[sflag:s17] =	ssyncset.done $0x0  }
0x1b: {  	s9 =	simm.s32 $0x5400;
	[sflag:s17] =	ssyncadd.s32 $0xFFFFFF60  }
0x1c: {  	[tilespmem:s9], [sflag:$0x2] =	stream.indirect.gather [hbm4b:s5+s18], $0x80, s8, s18, $0xb8;
	[tilespmem:$0x1E400] =	vst v63  }
0x1d: {  	s20 =	simm.s32 $0x200;
	s16 =	rddreg [dreg:$0x5]  }
0x1e: {  	[tilespmem:s20], [sflag:$0x7] =	stream.linear.gather [hbm4b:s16+s3], $0xA0, $0x38;
	[tilespmem:$0x1E400] =	vst v63  }
0x1f: {  	_ =	swait.ge [sflag:s17], $0xA0  }
0x20: {  	[sflag:s17] =	ssyncset.done $0x0  }
0x21: {  	s22 =	simm.s32 $0xA400;
	[sflag:s17] =	ssyncadd.s32 $0xFFFFFF60  }
0x22: {  	[tilespmem:s22], [sflag:$0x3] =	stream.indirect.gather [hbm4b:s5+s18], $0x80, s20, s18, $0xb8;
	[tilespmem:$0x1E400] =	vst v63  }
0x23: {  	s20 =	simm.s32 $0x0  }
.LBB2_2:
0x24: {  	s8 =	smul.u32 $0x280, s20;
	_ =	sdelay $0x1  }
0x25: {  	s22 =	sadd.s32 s8, s10  }
0x26: {  	s7 =	sshrl.u32 s22, $0x3  }
0x27: {  	s7 =	sadd.s32 s2, s7  }
0x28: {  	[tilespmem:s24], [sflag:$0x7] =	stream.linear.gather [hbm4b:s7+s3], $0xA0, $0x38;
	[tilespmem:$0x1E400] =	vst v63  }
0x29: {  	_ =	swait.ge [sflag:s17], $0xA0  }
0x2a: {  	[sflag:s17] =	ssyncset.done $0x0  }
0x2b: {  	[sflag:s17] =	ssyncadd.s32 $0xFFFFFF60  }
0x2c: {  	[tilespmem:s25], [sflag:$0x4] =	stream.indirect.gather [hbm4b:s5+s18], $0x80, s24, s18, $0xb8;
	[tilespmem:$0x1E400] =	vst v63  }
0x2d: {  	_ =	swait.ge [sflag:s26], $0x5000  }
0x2e: {  	p0 =	seq.s32 s20, $0x0;
	[sflag:s26] =	ssyncset.done $0x0  }
0x2f: {  	s7 =	simm.s32 @!p0 $0x5;
	[sflag:s26] =	ssyncadd.s32 $0xFFFFB000  }
0x30: {  	_ =	swait.ge @!p0 [sflag:s7], $0x5000  }
0x31: {  	[sflag:s7] =	ssyncset.done @!p0 $0x0  }
0x32: {  	[sflag:s7] =	ssyncadd.s32 @!p0 $0xFFFFB000;
	s7 =	simm.s32 $0x600  }
0x33: {  	v0 =	vld [tilespmem:s7+$0x180]  }
0x34: {  	v1 =	vld [tilespmem:s7+$0xFFFFFE80]  }
0x35: {  	v2 =	vld [tilespmem:s7+$0xFFFFFF00]  }
0x36: {  	v3 =	vld [tilespmem:s7+$0xFFFFFF80]  }
0x37: {  	v4 =	vld [tilespmem:s7+$0x0]  }
0x38: {  	v5 =	vld [tilespmem:s7+$0x80];
	v0 =	vmul.f32 $8.000000000e+00, v0  }
0x39: {  	s9 =	simm.s32 $0x14600;
	v6 =	vld [tilespmem:s7+$0x100];
	v1 =	vmul.f32 $8.000000000e+00, v1  }
0x3a: {  	v7 =	vld [tilespmem:s7+$0xFFFFFE00];
	v2 =	vmul.f32 $8.000000000e+00, v2;
	[tilespmem:s9+$0x180] =	vst v0  }
0x3b: {  	[tilespmem:s9+$0xFFFFFE80] =	vst v1;
	v0 =	vmul.f32 $8.000000000e+00, v3;
	v1 =	vld [tilespmem:s7+$0x190]  }
0x3c: {  	[tilespmem:s9+$0xFFFFFF00] =	vst v2;
	v2 =	vmul.f32 $8.000000000e+00, v4;
	v3 =	vld [tilespmem:s7+$0xFFFFFE90]  }
0x3d: {  	v4 =	vld [tilespmem:s7+$0xFFFFFF10];
	[tilespmem:s9+$0xFFFFFF80] =	vst v0;
	v0 =	vmul.f32 $8.000000000e+00, v5  }
0x3e: {  	[tilespmem:s9+$0x0] =	vst v2;
	v2 =	vmul.f32 $8.000000000e+00, v6;
	v5 =	vld [tilespmem:s7+$0xFFFFFF90]  }
0x3f: {  	v6 =	vmul.f32 $8.000000000e+00, v7;
	v7 =	vld [tilespmem:s7+$0x10];
	[tilespmem:s9+$0x80] =	vst v0  }
0x40: {  	[tilespmem:s9+$0x100] =	vst v2;
	v0 =	vld [tilespmem:s7+$0x90];
	v1 =	vmul.f32 $8.000000000e+00, v1  }
0x41: {  	[tilespmem:s9+$0xFFFFFE00] =	vst v6;
	v2 =	vmul.f32 $8.000000000e+00, v3;
	v3 =	vld [tilespmem:s7+$0x110]  }
0x42: {  	v6 =	vld [tilespmem:s7+$0xFFFFFE10];
	v4 =	vmul.f32 $8.000000000e+00, v4;
	[tilespmem:s9+$0x190] =	vst v1  }
0x43: {  	[tilespmem:s9+$0xFFFFFE90] =	vst v2;
	v1 =	vmul.f32 $8.000000000e+00, v5;
	v2 =	vld [tilespmem:s7+$0x1A0]  }
0x44: {  	[tilespmem:s9+$0xFFFFFF10] =	vst v4;
	v4 =	vmul.f32 $8.000000000e+00, v7;
	v5 =	vld [tilespmem:s7+$0xFFFFFEA0]  }
0x45: {  	v7 =	vld [tilespmem:s7+$0xFFFFFF20];
	[tilespmem:s9+$0xFFFFFF90] =	vst v1;
	v0 =	vmul.f32 $8.000000000e+00, v0  }
0x46: {  	[tilespmem:s9+$0x10] =	vst v4;
	v1 =	vld [tilespmem:s7+$0xFFFFFFA0];
	v3 =	vmul.f32 $8.000000000e+00, v3  }
0x47: {  	v4 =	vmul.f32 $8.000000000e+00, v6;
	v6 =	vld [tilespmem:s7+$0x20];
	[tilespmem:s9+$0x90] =	vst v0  }
0x48: {  	v0 =	vld [tilespmem:s7+$0xA0];
	[tilespmem:s9+$0x110] =	vst v3;
	v2 =	vmul.f32 $8.000000000e+00, v2  }
0x49: {  	[tilespmem:s9+$0xFFFFFE10] =	vst v4;
	v3 =	vmul.f32 $8.000000000e+00, v5;
	v4 =	vld [tilespmem:s7+$0x120]  }
0x4a: {  	v5 =	vld [tilespmem:s7+$0xFFFFFE20];
	v7 =	vmul.f32 $8.000000000e+00, v7;
	[tilespmem:s9+$0x1A0] =	vst v2  }
0x4b: {  	[tilespmem:s9+$0xFFFFFEA0] =	vst v3;
	v1 =	vmul.f32 $8.000000000e+00, v1;
	v3 =	vld [tilespmem:s7+$0x1B0]  }
0x4c: {  	[tilespmem:s9+$0xFFFFFF20] =	vst v7;
	v2 =	vmul.f32 $8.000000000e+00, v6;
	v8 =	vld [tilespmem:s7+$0xFFFFFEB0]  }
0x4d: {  	v7 =	vld [tilespmem:s7+$0xFFFFFF30];
	[tilespmem:s9+$0xFFFFFFA0] =	vst v1;
	v1 =	vmul.f32 $8.000000000e+00, v0  }
0x4e: {  	[tilespmem:s9+$0x20] =	vst v2;
	v0 =	vld [tilespmem:s7+$0xFFFFFFB0];
	v4 =	vmul.f32 $8.000000000e+00, v4  }
0x4f: {  	v5 =	vmul.f32 $8.000000000e+00, v5;
	v2 =	vld [tilespmem:s7+$0x30];
	[tilespmem:s9+$0xA0] =	vst v1  }
0x50: {  	v1 =	vld [tilespmem:s7+$0xB0];
	[tilespmem:s9+$0x120] =	vst v4;
	v9 =	vmul.f32 $8.000000000e+00, v3  }
0x51: {  	[tilespmem:s9+$0xFFFFFE20] =	vst v5;
	v3 =	vld [tilespmem:s7+$0x130];
	v6 =	vmul.f32 $8.000000000e+00, v8  }
0x52: {  	s16 =	simm.s32 $0x0;
	v4 =	vld [tilespmem:s7+$0xFFFFFE30];
	v5 =	vmul.f32 $8.000000000e+00, v7;
	s7 =	simm.s32 $0xA00;
	[tilespmem:s9+$0x1B0] =	vst v9  }
.LBB2_3:
0x53: {  	v7 =	vld [tilespmem:s7+$0x180];
	s16 =	sadd.s32 $0x8, s16;
	[tilespmem:s9+$0xFFFFFEB0] =	vst v6;
	v0 =	vmul.f32 $8.000000000e+00, v0  }
0x54: {  	v6 =	vld [tilespmem:s7+$0xFFFFFE80];
	p1 =	slt.u32 s16, $0x98;
	[tilespmem:s9+$0xFFFFFF30] =	vst v5;
	v2 =	vmul.f32 $8.000000000e+00, v2  }
0x55: {  	v5 =	vld [tilespmem:s7+$0xFFFFFF00];
	[tilespmem:s9+$0xFFFFFFB0] =	vst v0;
	v0 =	vmul.f32 $8.000000000e+00, v1  }
0x56: {  	v1 =	vld [tilespmem:s7+$0xFFFFFF80];
	[tilespmem:s9+$0x30] =	vst v2;
	v2 =	vmul.f32 $8.000000000e+00, v3  }
0x57: {  	v3 =	vld [tilespmem:s7+$0x0];
	v4 =	vmul.f32 $8.000000000e+00, v4;
	[tilespmem:s9+$0xB0] =	vst v0  }
0x58: {  	v0 =	vld [tilespmem:s7+$0x80];
	v7 =	vmul.f32 $8.000000000e+00, v7;
	[tilespmem:s9+$0x130] =	vst v2  }
0x59: {  	v2 =	vmul.f32 $8.000000000e+00, v6;
	v6 =	vld [tilespmem:s7+$0x100];
	[tilespmem:s9+$0xFFFFFE30] =	vst v4;
	s9 =	sadd.s32 $0x400, s9  }
0x5a: {  	v4 =	vld [tilespmem:s7+$0xFFFFFE00];
	v5 =	vmul.f32 $8.000000000e+00, v5;
	[tilespmem:s9+$0x180] =	vst v7  }
0x5b: {  	[tilespmem:s9+$0xFFFFFE80] =	vst v2;
	v1 =	vmul.f32 $8.000000000e+00, v1;
	v2 =	vld [tilespmem:s7+$0x190]  }
0x5c: {  	v7 =	vld [tilespmem:s7+$0xFFFFFE90];
	[tilespmem:s9+$0xFFFFFF00] =	vst v5;
	v3 =	vmul.f32 $8.000000000e+00, v3  }
0x5d: {  	v5 =	vld [tilespmem:s7+$0xFFFFFF10];
	[tilespmem:s9+$0xFFFFFF80] =	vst v1;
	v0 =	vmul.f32 $8.000000000e+00, v0  }
0x5e: {  	v1 =	vld [tilespmem:s7+$0xFFFFFF90];
	[tilespmem:s9+$0x0] =	vst v3;
	v3 =	vmul.f32 $8.000000000e+00, v6  }
0x5f: {  	v4 =	vmul.f32 $8.000000000e+00, v4;
	v6 =	vld [tilespmem:s7+$0x10];
	[tilespmem:s9+$0x80] =	vst v0  }
0x60: {  	v0 =	vld [tilespmem:s7+$0x90];
	[tilespmem:s9+$0x100] =	vst v3;
	v2 =	vmul.f32 $8.000000000e+00, v2  }
0x61: {  	[tilespmem:s9+$0xFFFFFE00] =	vst v4;
	v3 =	vmul.f32 $8.000000000e+00, v7;
	v4 =	vld [tilespmem:s7+$0x110]  }
0x62: {  	v7 =	vld [tilespmem:s7+$0xFFFFFE10];
	v5 =	vmul.f32 $8.000000000e+00, v5;
	[tilespmem:s9+$0x190] =	vst v2  }
0x63: {  	[tilespmem:s9+$0xFFFFFE90] =	vst v3;
	v1 =	vmul.f32 $8.000000000e+00, v1;
	v2 =	vld [tilespmem:s7+$0x1A0]  }
0x64: {  	v3 =	vld [tilespmem:s7+$0xFFFFFEA0];
	[tilespmem:s9+$0xFFFFFF10] =	vst v5;
	v5 =	vmul.f32 $8.000000000e+00, v6  }
0x65: {  	v6 =	vld [tilespmem:s7+$0xFFFFFF20];
	[tilespmem:s9+$0xFFFFFF90] =	vst v1;
	v0 =	vmul.f32 $8.000000000e+00, v0  }
0x66: {  	v1 =	vld [tilespmem:s7+$0xFFFFFFA0];
	[tilespmem:s9+$0x10] =	vst v5;
	v4 =	vmul.f32 $8.000000000e+00, v4  }
0x67: {  	v5 =	vmul.f32 $8.000000000e+00, v7;
	v7 =	vld [tilespmem:s7+$0x20];
	[tilespmem:s9+$0x90] =	vst v0  }
0x68: {  	v0 =	vld [tilespmem:s7+$0xA0];
	[tilespmem:s9+$0x110] =	vst v4;
	v2 =	vmul.f32 $8.000000000e+00, v2  }
0x69: {  	[tilespmem:s9+$0xFFFFFE10] =	vst v5;
	v3 =	vmul.f32 $8.000000000e+00, v3;
	v4 =	vld [tilespmem:s7+$0x120]  }
0x6a: {  	v5 =	vld [tilespmem:s7+$0xFFFFFE20];
	v6 =	vmul.f32 $8.000000000e+00, v6;
	[tilespmem:s9+$0x1A0] =	vst v2  }
0x6b: {  	[tilespmem:s9+$0xFFFFFEA0] =	vst v3;
	v1 =	vmul.f32 $8.000000000e+00, v1;
	v3 =	vld [tilespmem:s7+$0x1B0]  }
0x6c: {  	v8 =	vld [tilespmem:s7+$0xFFFFFEB0];
	[tilespmem:s9+$0xFFFFFF20] =	vst v6;
	v2 =	vmul.f32 $8.000000000e+00, v7  }
0x6d: {  	v7 =	vld [tilespmem:s7+$0xFFFFFF30];
	[tilespmem:s9+$0xFFFFFFA0] =	vst v1;
	v1 =	vmul.f32 $8.000000000e+00, v0  }
.Ltmp0:
0x6e: {  	v0 =	vld [tilespmem:s7+$0xFFFFFFB0];
	[tilespmem:s9+$0x20] =	vst v2;
	v4 =	vmul.f32 $8.000000000e+00, v4;
	(pc) =	sbr.rel @p1 .LBB2_3-.Ltmp0, $4  }
0x6f: {  	v5 =	vmul.f32 $8.000000000e+00, v5;
	v2 =	vld [tilespmem:s7+$0x30];
	[tilespmem:s9+$0xA0] =	vst v1  }
0x70: {  	v1 =	vld [tilespmem:s7+$0xB0];
	[tilespmem:s9+$0x120] =	vst v4;
	v9 =	vmul.f32 $8.000000000e+00, v3  }
0x71: {  	[tilespmem:s9+$0xFFFFFE20] =	vst v5;
	v6 =	vmul.f32 $8.000000000e+00, v8;
	v3 =	vld [tilespmem:s7+$0x130]  }
0x72: {  	v4 =	vld [tilespmem:s7+$0xFFFFFE30];
	v5 =	vmul.f32 $8.000000000e+00, v7;
	[tilespmem:s9+$0x1B0] =	vst v9;
	s7 =	sadd.s32 $0x400, s7  }
0x73: {  	[tilespmem:s9+$0xFFFFFEB0] =	vst v6;
	v0 =	vmul.f32 $8.000000000e+00, v0  }
0x74: {  	[tilespmem:s9+$0xFFFFFF30] =	vst v5;
	v2 =	vmul.f32 $8.000000000e+00, v2  }
0x75: {  	p1 =	sne.s32 s20, $0x27;
	[tilespmem:s9+$0xFFFFFFB0] =	vst v0;
	v61 =	vmul.f32 $8.000000000e+00, v1  }
.Ltmp1:
0x76: {  	[tilespmem:s9+$0x30] =	vst v2;
	v62 =	vmul.f32 $8.000000000e+00, v3;
	(pc) =	sbr.rel @p1 .LBB2_6-.Ltmp1, $4  }
0x77: {  	s7 =	sadd.s32 s4, s8;
	v63 =	vmul.f32 $8.000000000e+00, v4;
	[tilespmem:s9+$0xB0] =	vst v61  }
0x78: {  	s7 =	sshll.u32 s7, $0x4;
	[tilespmem:s9+$0x130] =	vst v62  }
0x79: {  	s7 =	sadd.s32 s6, s7;
	[tilespmem:s9+$0xFFFFFE30] =	vst v63  }
0x7a: {  	[hbm4b:s7+s3] =	stream.linear.scatter [tilespmem:s28], [sflag:$0x5], $0x5000, $0x38;
	[tilespmem:$0x1E400] =	vst v63  }
.Ltmp2:
0x7b: {  	(pc) =	sbr.rel .LBB2_7-.Ltmp2, $4  }
0x7c: {  	_ = 	snop  }
0x7d: {  	_ =	swait.ge [sflag:s29], $0x5000  }
0x7e: {  	[sflag:s29] =	ssyncset.done $0x0  }
0x7f: {  	[sflag:s29] =	ssyncadd.s32 $0xFFFFB000  }
.LBB2_6:
0x80: {  	s7 =	sadd.s32 s8, s11  }
0x81: {  	s7 =	sshrl.u32 s7, $0x3  }
0x82: {  	s7 =	sadd.s32 s2, s7  }
0x83: {  	[tilespmem:s3], [sflag:$0x7] =	stream.linear.gather [hbm4b:s7+s3], $0xA0, $0x38;
	[tilespmem:$0x1E400] =	vst v63  }
0x84: {  	_ =	swait.ge [sflag:s17], $0xA0  }
0x85: {  	[sflag:s17] =	ssyncset.done $0x0  }
.Ltmp3:
0x86: {  	[sflag:s17] =	ssyncadd.s32 $0xFFFFFF60;
	(pc) =	sbr.rel @p0 .LBB2_8-.Ltmp3, $4  }
0x87: {  	[tilespmem:s19], [sflag:$0x1] =	stream.indirect.gather [hbm4b:s5+s18], $0x80, s3, s18, $0xb8;
	[tilespmem:$0x1E400] =	vst v63  }
0x88: {  	_ =	swait.ge [sflag:s29], $0x5000  }
0x89: {  	[sflag:s29] =	ssyncset.done $0x0  }
0x8a: {  	[sflag:s29] =	ssyncadd.s32 $0xFFFFB000  }
.LBB2_7:
0x8b: {  	_ =	swait.ge [sflag:s30], $0x5000  }
0x8c: {  	[sflag:s30] =	ssyncset.done $0x0  }
0x8d: {  	[sflag:s30] =	ssyncadd.s32 $0xFFFFB000  }
.LBB2_8:
0x8e: {  	s7 =	simm.s32 $0x5600  }
0x8f: {  	v0 =	vld [tilespmem:s7+$0x180]  }
0x90: {  	v1 =	vld [tilespmem:s7+$0xFFFFFE80]  }
0x91: {  	v2 =	vld [tilespmem:s7+$0xFFFFFF00]  }
0x92: {  	v3 =	vld [tilespmem:s7+$0xFFFFFF80]  }
0x93: {  	v4 =	vld [tilespmem:s7+$0x0]  }
0x94: {  	v5 =	vld [tilespmem:s7+$0x80];
	v0 =	vmul.f32 $8.000000000e+00, v0  }
0x95: {  	s9 =	simm.s32 $0x19600;
	v6 =	vld [tilespmem:s7+$0x100];
	v1 =	vmul.f32 $8.000000000e+00, v1  }
0x96: {  	v7 =	vld [tilespmem:s7+$0xFFFFFE00];
	v2 =	vmul.f32 $8.000000000e+00, v2;
	[tilespmem:s9+$0x180] =	vst v0  }
0x97: {  	[tilespmem:s9+$0xFFFFFE80] =	vst v1;
	v0 =	vmul.f32 $8.000000000e+00, v3;
	v1 =	vld [tilespmem:s7+$0x190]  }
0x98: {  	[tilespmem:s9+$0xFFFFFF00] =	vst v2;
	v2 =	vmul.f32 $8.000000000e+00, v4;
	v3 =	vld [tilespmem:s7+$0xFFFFFE90]  }
0x99: {  	v4 =	vld [tilespmem:s7+$0xFFFFFF10];
	[tilespmem:s9+$0xFFFFFF80] =	vst v0;
	v0 =	vmul.f32 $8.000000000e+00, v5  }
0x9a: {  	[tilespmem:s9+$0x0] =	vst v2;
	v2 =	vmul.f32 $8.000000000e+00, v6;
	v5 =	vld [tilespmem:s7+$0xFFFFFF90]  }
0x9b: {  	v6 =	vmul.f32 $8.000000000e+00, v7;
	v7 =	vld [tilespmem:s7+$0x10];
	[tilespmem:s9+$0x80] =	vst v0  }
0x9c: {  	[tilespmem:s9+$0x100] =	vst v2;
	v0 =	vld [tilespmem:s7+$0x90];
	v1 =	vmul.f32 $8.000000000e+00, v1  }
0x9d: {  	[tilespmem:s9+$0xFFFFFE00] =	vst v6;
	v2 =	vmul.f32 $8.000000000e+00, v3;
	v3 =	vld [tilespmem:s7+$0x110]  }
0x9e: {  	v6 =	vld [tilespmem:s7+$0xFFFFFE10];
	v4 =	vmul.f32 $8.000000000e+00, v4;
	[tilespmem:s9+$0x190] =	vst v1  }
0x9f: {  	[tilespmem:s9+$0xFFFFFE90] =	vst v2;
	v1 =	vmul.f32 $8.000000000e+00, v5;
	v2 =	vld [tilespmem:s7+$0x1A0]  }
0xa0: {  	[tilespmem:s9+$0xFFFFFF10] =	vst v4;
	v4 =	vmul.f32 $8.000000000e+00, v7;
	v5 =	vld [tilespmem:s7+$0xFFFFFEA0]  }
0xa1: {  	v7 =	vld [tilespmem:s7+$0xFFFFFF20];
	[tilespmem:s9+$0xFFFFFF90] =	vst v1;
	v0 =	vmul.f32 $8.000000000e+00, v0  }
0xa2: {  	[tilespmem:s9+$0x10] =	vst v4;
	v1 =	vld [tilespmem:s7+$0xFFFFFFA0];
	v3 =	vmul.f32 $8.000000000e+00, v3  }
0xa3: {  	v4 =	vmul.f32 $8.000000000e+00, v6;
	v6 =	vld [tilespmem:s7+$0x20];
	[tilespmem:s9+$0x90] =	vst v0  }
0xa4: {  	v0 =	vld [tilespmem:s7+$0xA0];
	[tilespmem:s9+$0x110] =	vst v3;
	v2 =	vmul.f32 $8.000000000e+00, v2  }
0xa5: {  	[tilespmem:s9+$0xFFFFFE10] =	vst v4;
	v3 =	vmul.f32 $8.000000000e+00, v5;
	v4 =	vld [tilespmem:s7+$0x120]  }
0xa6: {  	v5 =	vld [tilespmem:s7+$0xFFFFFE20];
	v7 =	vmul.f32 $8.000000000e+00, v7;
	[tilespmem:s9+$0x1A0] =	vst v2  }
0xa7: {  	[tilespmem:s9+$0xFFFFFEA0] =	vst v3;
	v1 =	vmul.f32 $8.000000000e+00, v1;
	v3 =	vld [tilespmem:s7+$0x1B0]  }
0xa8: {  	[tilespmem:s9+$0xFFFFFF20] =	vst v7;
	v2 =	vmul.f32 $8.000000000e+00, v6;
	v8 =	vld [tilespmem:s7+$0xFFFFFEB0]  }
0xa9: {  	v7 =	vld [tilespmem:s7+$0xFFFFFF30];
	[tilespmem:s9+$0xFFFFFFA0] =	vst v1;
	v1 =	vmul.f32 $8.000000000e+00, v0  }
0xaa: {  	[tilespmem:s9+$0x20] =	vst v2;
	v0 =	vld [tilespmem:s7+$0xFFFFFFB0];
	v4 =	vmul.f32 $8.000000000e+00, v4  }
0xab: {  	v5 =	vmul.f32 $8.000000000e+00, v5;
	v2 =	vld [tilespmem:s7+$0x30];
	[tilespmem:s9+$0xA0] =	vst v1  }
0xac: {  	v1 =	vld [tilespmem:s7+$0xB0];
	[tilespmem:s9+$0x120] =	vst v4;
	v9 =	vmul.f32 $8.000000000e+00, v3  }
0xad: {  	[tilespmem:s9+$0xFFFFFE20] =	vst v5;
	v3 =	vld [tilespmem:s7+$0x130];
	v6 =	vmul.f32 $8.000000000e+00, v8  }
0xae: {  	s16 =	simm.s32 $0x0;
	v4 =	vld [tilespmem:s7+$0xFFFFFE30];
	v5 =	vmul.f32 $8.000000000e+00, v7;
	s7 =	simm.s32 $0x5A00;
	[tilespmem:s9+$0x1B0] =	vst v9  }
.LBB2_9:
0xaf: {  	v7 =	vld [tilespmem:s7+$0x180];
	s16 =	sadd.s32 $0x8, s16;
	[tilespmem:s9+$0xFFFFFEB0] =	vst v6;
	v0 =	vmul.f32 $8.000000000e+00, v0  }
0xb0: {  	v6 =	vld [tilespmem:s7+$0xFFFFFE80];
	p0 =	slt.u32 s16, $0x98;
	[tilespmem:s9+$0xFFFFFF30] =	vst v5;
	v2 =	vmul.f32 $8.000000000e+00, v2  }
0xb1: {  	v5 =	vld [tilespmem:s7+$0xFFFFFF00];
	[tilespmem:s9+$0xFFFFFFB0] =	vst v0;
	v0 =	vmul.f32 $8.000000000e+00, v1  }
0xb2: {  	v1 =	vld [tilespmem:s7+$0xFFFFFF80];
	[tilespmem:s9+$0x30] =	vst v2;
	v2 =	vmul.f32 $8.000000000e+00, v3  }
0xb3: {  	v3 =	vld [tilespmem:s7+$0x0];
	v4 =	vmul.f32 $8.000000000e+00, v4;
	[tilespmem:s9+$0xB0] =	vst v0  }
0xb4: {  	v0 =	vld [tilespmem:s7+$0x80];
	v7 =	vmul.f32 $8.000000000e+00, v7;
	[tilespmem:s9+$0x130] =	vst v2  }
0xb5: {  	v2 =	vmul.f32 $8.000000000e+00, v6;
	v6 =	vld [tilespmem:s7+$0x100];
	[tilespmem:s9+$0xFFFFFE30] =	vst v4;
	s9 =	sadd.s32 $0x400, s9  }
0xb6: {  	v4 =	vld [tilespmem:s7+$0xFFFFFE00];
	v5 =	vmul.f32 $8.000000000e+00, v5;
	[tilespmem:s9+$0x180] =	vst v7  }
0xb7: {  	[tilespmem:s9+$0xFFFFFE80] =	vst v2;
	v1 =	vmul.f32 $8.000000000e+00, v1;
	v2 =	vld [tilespmem:s7+$0x190]  }
0xb8: {  	v7 =	vld [tilespmem:s7+$0xFFFFFE90];
	[tilespmem:s9+$0xFFFFFF00] =	vst v5;
	v3 =	vmul.f32 $8.000000000e+00, v3  }
0xb9: {  	v5 =	vld [tilespmem:s7+$0xFFFFFF10];
	[tilespmem:s9+$0xFFFFFF80] =	vst v1;
	v0 =	vmul.f32 $8.000000000e+00, v0  }
0xba: {  	v1 =	vld [tilespmem:s7+$0xFFFFFF90];
	[tilespmem:s9+$0x0] =	vst v3;
	v3 =	vmul.f32 $8.000000000e+00, v6  }
0xbb: {  	v4 =	vmul.f32 $8.000000000e+00, v4;
	v6 =	vld [tilespmem:s7+$0x10];
	[tilespmem:s9+$0x80] =	vst v0  }
0xbc: {  	v0 =	vld [tilespmem:s7+$0x90];
	[tilespmem:s9+$0x100] =	vst v3;
	v2 =	vmul.f32 $8.000000000e+00, v2  }
0xbd: {  	[tilespmem:s9+$0xFFFFFE00] =	vst v4;
	v3 =	vmul.f32 $8.000000000e+00, v7;
	v4 =	vld [tilespmem:s7+$0x110]  }
0xbe: {  	v7 =	vld [tilespmem:s7+$0xFFFFFE10];
	v5 =	vmul.f32 $8.000000000e+00, v5;
	[tilespmem:s9+$0x190] =	vst v2  }
0xbf: {  	[tilespmem:s9+$0xFFFFFE90] =	vst v3;
	v1 =	vmul.f32 $8.000000000e+00, v1;
	v2 =	vld [tilespmem:s7+$0x1A0]  }
0xc0: {  	v3 =	vld [tilespmem:s7+$0xFFFFFEA0];
	[tilespmem:s9+$0xFFFFFF10] =	vst v5;
	v5 =	vmul.f32 $8.000000000e+00, v6  }
0xc1: {  	v6 =	vld [tilespmem:s7+$0xFFFFFF20];
	[tilespmem:s9+$0xFFFFFF90] =	vst v1;
	v0 =	vmul.f32 $8.000000000e+00, v0  }
0xc2: {  	v1 =	vld [tilespmem:s7+$0xFFFFFFA0];
	[tilespmem:s9+$0x10] =	vst v5;
	v4 =	vmul.f32 $8.000000000e+00, v4  }
0xc3: {  	v5 =	vmul.f32 $8.000000000e+00, v7;
	v7 =	vld [tilespmem:s7+$0x20];
	[tilespmem:s9+$0x90] =	vst v0  }
0xc4: {  	v0 =	vld [tilespmem:s7+$0xA0];
	[tilespmem:s9+$0x110] =	vst v4;
	v2 =	vmul.f32 $8.000000000e+00, v2  }
0xc5: {  	[tilespmem:s9+$0xFFFFFE10] =	vst v5;
	v3 =	vmul.f32 $8.000000000e+00, v3;
	v4 =	vld [tilespmem:s7+$0x120]  }
0xc6: {  	v5 =	vld [tilespmem:s7+$0xFFFFFE20];
	v6 =	vmul.f32 $8.000000000e+00, v6;
	[tilespmem:s9+$0x1A0] =	vst v2  }
0xc7: {  	[tilespmem:s9+$0xFFFFFEA0] =	vst v3;
	v1 =	vmul.f32 $8.000000000e+00, v1;
	v3 =	vld [tilespmem:s7+$0x1B0]  }
0xc8: {  	v8 =	vld [tilespmem:s7+$0xFFFFFEB0];
	[tilespmem:s9+$0xFFFFFF20] =	vst v6;
	v2 =	vmul.f32 $8.000000000e+00, v7  }
0xc9: {  	v7 =	vld [tilespmem:s7+$0xFFFFFF30];
	[tilespmem:s9+$0xFFFFFFA0] =	vst v1;
	v1 =	vmul.f32 $8.000000000e+00, v0  }
.Ltmp4:
0xca: {  	v0 =	vld [tilespmem:s7+$0xFFFFFFB0];
	[tilespmem:s9+$0x20] =	vst v2;
	v4 =	vmul.f32 $8.000000000e+00, v4;
	(pc) =	sbr.rel @p0 .LBB2_9-.Ltmp4, $4  }
0xcb: {  	v5 =	vmul.f32 $8.000000000e+00, v5;
	v2 =	vld [tilespmem:s7+$0x30];
	[tilespmem:s9+$0xA0] =	vst v1  }
0xcc: {  	v1 =	vld [tilespmem:s7+$0xB0];
	[tilespmem:s9+$0x120] =	vst v4;
	v9 =	vmul.f32 $8.000000000e+00, v3  }
0xcd: {  	[tilespmem:s9+$0xFFFFFE20] =	vst v5;
	v6 =	vmul.f32 $8.000000000e+00, v8;
	v3 =	vld [tilespmem:s7+$0x130]  }
0xce: {  	v4 =	vld [tilespmem:s7+$0xFFFFFE30];
	v5 =	vmul.f32 $8.000000000e+00, v7;
	[tilespmem:s9+$0x1B0] =	vst v9;
	s7 =	sadd.s32 $0x400, s7  }
0xcf: {  	[tilespmem:s9+$0xFFFFFEB0] =	vst v6;
	v0 =	vmul.f32 $8.000000000e+00, v0  }
0xd0: {  	[tilespmem:s9+$0xFFFFFF30] =	vst v5;
	v2 =	vmul.f32 $8.000000000e+00, v2  }
0xd1: {  	[tilespmem:s9+$0xFFFFFFB0] =	vst v0;
	v0 =	vmul.f32 $8.000000000e+00, v1  }
0xd2: {  	[tilespmem:s9+$0x30] =	vst v2;
	v1 =	vmul.f32 $8.000000000e+00, v3  }
0xd3: {  	s7 =	sadd.s32 s8, s12;
	v2 =	vmul.f32 $8.000000000e+00, v4;
	[tilespmem:s9+$0xB0] =	vst v0  }
0xd4: {  	s7 =	sshll.u32 s7, $0x4;
	[tilespmem:s9+$0x130] =	vst v1  }
0xd5: {  	p0 =	seq.s32 s20, $0x27;
	s7 =	sadd.s32 s6, s7;
	[tilespmem:s9+$0xFFFFFE30] =	vst v2  }
0xd6: {  	[hbm4b:s7+s3] =	stream.linear.scatter [tilespmem:s31], [sflag:$0x6], $0x5000, $0x38;
	[tilespmem:$0x1E400] =	vst v63  }
0xd7: {  	s7 =	sadd.s32 @!p0 s8, s13  }
0xd8: {  	s7 =	sshrl.u32 @!p0 s7, $0x3  }
0xd9: {  	s16 =	simm.s32 @!p0 $0x100;
	s9 =	simm.s32 @!p0 $0x0;
	s7 =	sadd.s32 @!p0 s2, s7  }
0xda: {  	[tilespmem:s16], [sflag:$0x7] =	stream.linear.gather @!p0 [hbm4b:s7+s9], $0xA0, $0x38;
	[tilespmem:$0x1E400] =	vst v63  }
0xdb: {  	s7 =	simm.s32 @!p0 $0x7  }
0xdc: {  	_ =	swait.ge @!p0 [sflag:s7], $0xA0  }
0xdd: {  	[sflag:s7] =	ssyncset.done @!p0 $0x0  }
0xde: {  	s9 =	simm.s32 @!p0 $0x5400;
	[sflag:s7] =	ssyncadd.s32 @!p0 $0xFFFFFF60;
	s7 =	simm.s32 @!p0 $0xA0  }
0xdf: {  	[tilespmem:s9], [sflag:$0x2] =	stream.indirect.gather @!p0 [hbm4b:s5+s7], $0x80, s16, s7, $0xb8;
	[tilespmem:$0x1E400] =	vst v63  }
0xe0: {  	_ =	swait.ge [sflag:s1], $0x5000  }
0xe1: {  	[sflag:s1] =	ssyncset.done $0x0  }
0xe2: {  	[sflag:s1] =	ssyncadd.s32 $0xFFFFB000  }
0xe3: {  	_ =	swait.ge [sflag:s0], $0x5000  }
0xe4: {  	[sflag:s0] =	ssyncset.done $0x0  }
0xe5: {  	s7 =	simm.s32 $0xA600;
	[sflag:s0] =	ssyncadd.s32 $0xFFFFB000  }
0xe6: {  	v0 =	vld [tilespmem:s7+$0x180]  }
0xe7: {  	v1 =	vld [tilespmem:s7+$0xFFFFFE80]  }
0xe8: {  	v2 =	vld [tilespmem:s7+$0xFFFFFF00]  }
0xe9: {  	v3 =	vld [tilespmem:s7+$0xFFFFFF80]  }
0xea: {  	v4 =	vld [tilespmem:s7+$0x0]  }
0xeb: {  	v5 =	vld [tilespmem:s7+$0x80];
	v0 =	vmul.f32 $8.000000000e+00, v0  }
0xec: {  	s9 =	simm.s32 $0x14600;
	v6 =	vld [tilespmem:s7+$0x100];
	v1 =	vmul.f32 $8.000000000e+00, v1  }
0xed: {  	v7 =	vld [tilespmem:s7+$0xFFFFFE00];
	v2 =	vmul.f32 $8.000000000e+00, v2;
	[tilespmem:s9+$0x180] =	vst v0  }
0xee: {  	[tilespmem:s9+$0xFFFFFE80] =	vst v1;
	v0 =	vmul.f32 $8.000000000e+00, v3;
	v1 =	vld [tilespmem:s7+$0x190]  }
0xef: {  	[tilespmem:s9+$0xFFFFFF00] =	vst v2;
	v2 =	vmul.f32 $8.000000000e+00, v4;
	v3 =	vld [tilespmem:s7+$0xFFFFFE90]  }
0xf0: {  	v4 =	vld [tilespmem:s7+$0xFFFFFF10];
	[tilespmem:s9+$0xFFFFFF80] =	vst v0;
	v0 =	vmul.f32 $8.000000000e+00, v5  }
0xf1: {  	[tilespmem:s9+$0x0] =	vst v2;
	v2 =	vmul.f32 $8.000000000e+00, v6;
	v5 =	vld [tilespmem:s7+$0xFFFFFF90]  }
0xf2: {  	v6 =	vmul.f32 $8.000000000e+00, v7;
	v7 =	vld [tilespmem:s7+$0x10];
	[tilespmem:s9+$0x80] =	vst v0  }
0xf3: {  	[tilespmem:s9+$0x100] =	vst v2;
	v0 =	vld [tilespmem:s7+$0x90];
	v1 =	vmul.f32 $8.000000000e+00, v1  }
0xf4: {  	[tilespmem:s9+$0xFFFFFE00] =	vst v6;
	v2 =	vmul.f32 $8.000000000e+00, v3;
	v3 =	vld [tilespmem:s7+$0x110]  }
0xf5: {  	v6 =	vld [tilespmem:s7+$0xFFFFFE10];
	v4 =	vmul.f32 $8.000000000e+00, v4;
	[tilespmem:s9+$0x190] =	vst v1  }
0xf6: {  	[tilespmem:s9+$0xFFFFFE90] =	vst v2;
	v1 =	vmul.f32 $8.000000000e+00, v5;
	v2 =	vld [tilespmem:s7+$0x1A0]  }
0xf7: {  	[tilespmem:s9+$0xFFFFFF10] =	vst v4;
	v4 =	vmul.f32 $8.000000000e+00, v7;
	v5 =	vld [tilespmem:s7+$0xFFFFFEA0]  }
0xf8: {  	v7 =	vld [tilespmem:s7+$0xFFFFFF20];
	[tilespmem:s9+$0xFFFFFF90] =	vst v1;
	v0 =	vmul.f32 $8.000000000e+00, v0  }
0xf9: {  	[tilespmem:s9+$0x10] =	vst v4;
	v1 =	vld [tilespmem:s7+$0xFFFFFFA0];
	v3 =	vmul.f32 $8.000000000e+00, v3  }
0xfa: {  	v4 =	vmul.f32 $8.000000000e+00, v6;
	v6 =	vld [tilespmem:s7+$0x20];
	[tilespmem:s9+$0x90] =	vst v0  }
0xfb: {  	v0 =	vld [tilespmem:s7+$0xA0];
	[tilespmem:s9+$0x110] =	vst v3;
	v2 =	vmul.f32 $8.000000000e+00, v2  }
0xfc: {  	[tilespmem:s9+$0xFFFFFE10] =	vst v4;
	v3 =	vmul.f32 $8.000000000e+00, v5;
	v4 =	vld [tilespmem:s7+$0x120]  }
0xfd: {  	v5 =	vld [tilespmem:s7+$0xFFFFFE20];
	v7 =	vmul.f32 $8.000000000e+00, v7;
	[tilespmem:s9+$0x1A0] =	vst v2  }
0xfe: {  	[tilespmem:s9+$0xFFFFFEA0] =	vst v3;
	v1 =	vmul.f32 $8.000000000e+00, v1;
	v3 =	vld [tilespmem:s7+$0x1B0]  }
0xff: {  	[tilespmem:s9+$0xFFFFFF20] =	vst v7;
	v2 =	vmul.f32 $8.000000000e+00, v6;
	v8 =	vld [tilespmem:s7+$0xFFFFFEB0]  }
0x100: {  	v7 =	vld [tilespmem:s7+$0xFFFFFF30];
	[tilespmem:s9+$0xFFFFFFA0] =	vst v1;
	v1 =	vmul.f32 $8.000000000e+00, v0  }
0x101: {  	[tilespmem:s9+$0x20] =	vst v2;
	v0 =	vld [tilespmem:s7+$0xFFFFFFB0];
	v4 =	vmul.f32 $8.000000000e+00, v4  }
0x102: {  	v5 =	vmul.f32 $8.000000000e+00, v5;
	v2 =	vld [tilespmem:s7+$0x30];
	[tilespmem:s9+$0xA0] =	vst v1  }
0x103: {  	v1 =	vld [tilespmem:s7+$0xB0];
	[tilespmem:s9+$0x120] =	vst v4;
	v9 =	vmul.f32 $8.000000000e+00, v3  }
0x104: {  	[tilespmem:s9+$0xFFFFFE20] =	vst v5;
	v3 =	vld [tilespmem:s7+$0x130];
	v6 =	vmul.f32 $8.000000000e+00, v8  }
0x105: {  	s16 =	simm.s32 $0x0;
	v4 =	vld [tilespmem:s7+$0xFFFFFE30];
	v5 =	vmul.f32 $8.000000000e+00, v7;
	s7 =	simm.s32 $0xAA00;
	[tilespmem:s9+$0x1B0] =	vst v9  }
.LBB2_11:
0x106: {  	v7 =	vld [tilespmem:s7+$0x180];
	s16 =	sadd.s32 $0x8, s16;
	[tilespmem:s9+$0xFFFFFEB0] =	vst v6;
	v0 =	vmul.f32 $8.000000000e+00, v0  }
0x107: {  	v6 =	vld [tilespmem:s7+$0xFFFFFE80];
	p1 =	slt.u32 s16, $0x98;
	[tilespmem:s9+$0xFFFFFF30] =	vst v5;
	v2 =	vmul.f32 $8.000000000e+00, v2  }
0x108: {  	v5 =	vld [tilespmem:s7+$0xFFFFFF00];
	[tilespmem:s9+$0xFFFFFFB0] =	vst v0;
	v0 =	vmul.f32 $8.000000000e+00, v1  }
0x109: {  	v1 =	vld [tilespmem:s7+$0xFFFFFF80];
	[tilespmem:s9+$0x30] =	vst v2;
	v2 =	vmul.f32 $8.000000000e+00, v3  }
0x10a: {  	v3 =	vld [tilespmem:s7+$0x0];
	v4 =	vmul.f32 $8.000000000e+00, v4;
	[tilespmem:s9+$0xB0] =	vst v0  }
0x10b: {  	v0 =	vld [tilespmem:s7+$0x80];
	v7 =	vmul.f32 $8.000000000e+00, v7;
	[tilespmem:s9+$0x130] =	vst v2  }
0x10c: {  	v2 =	vmul.f32 $8.000000000e+00, v6;
	v6 =	vld [tilespmem:s7+$0x100];
	[tilespmem:s9+$0xFFFFFE30] =	vst v4;
	s9 =	sadd.s32 $0x400, s9  }
0x10d: {  	v4 =	vld [tilespmem:s7+$0xFFFFFE00];
	v5 =	vmul.f32 $8.000000000e+00, v5;
	[tilespmem:s9+$0x180] =	vst v7  }
0x10e: {  	[tilespmem:s9+$0xFFFFFE80] =	vst v2;
	v1 =	vmul.f32 $8.000000000e+00, v1;
	v2 =	vld [tilespmem:s7+$0x190]  }
0x10f: {  	v7 =	vld [tilespmem:s7+$0xFFFFFE90];
	[tilespmem:s9+$0xFFFFFF00] =	vst v5;
	v3 =	vmul.f32 $8.000000000e+00, v3  }
0x110: {  	v5 =	vld [tilespmem:s7+$0xFFFFFF10];
	[tilespmem:s9+$0xFFFFFF80] =	vst v1;
	v0 =	vmul.f32 $8.000000000e+00, v0  }
0x111: {  	v1 =	vld [tilespmem:s7+$0xFFFFFF90];
	[tilespmem:s9+$0x0] =	vst v3;
	v3 =	vmul.f32 $8.000000000e+00, v6  }
0x112: {  	v4 =	vmul.f32 $8.000000000e+00, v4;
	v6 =	vld [tilespmem:s7+$0x10];
	[tilespmem:s9+$0x80] =	vst v0  }
0x113: {  	v0 =	vld [tilespmem:s7+$0x90];
	[tilespmem:s9+$0x100] =	vst v3;
	v2 =	vmul.f32 $8.000000000e+00, v2  }
0x114: {  	[tilespmem:s9+$0xFFFFFE00] =	vst v4;
	v3 =	vmul.f32 $8.000000000e+00, v7;
	v4 =	vld [tilespmem:s7+$0x110]  }
0x115: {  	v7 =	vld [tilespmem:s7+$0xFFFFFE10];
	v5 =	vmul.f32 $8.000000000e+00, v5;
	[tilespmem:s9+$0x190] =	vst v2  }
0x116: {  	[tilespmem:s9+$0xFFFFFE90] =	vst v3;
	v1 =	vmul.f32 $8.000000000e+00, v1;
	v2 =	vld [tilespmem:s7+$0x1A0]  }
0x117: {  	v3 =	vld [tilespmem:s7+$0xFFFFFEA0];
	[tilespmem:s9+$0xFFFFFF10] =	vst v5;
	v5 =	vmul.f32 $8.000000000e+00, v6  }
0x118: {  	v6 =	vld [tilespmem:s7+$0xFFFFFF20];
	[tilespmem:s9+$0xFFFFFF90] =	vst v1;
	v0 =	vmul.f32 $8.000000000e+00, v0  }
0x119: {  	v1 =	vld [tilespmem:s7+$0xFFFFFFA0];
	[tilespmem:s9+$0x10] =	vst v5;
	v4 =	vmul.f32 $8.000000000e+00, v4  }
0x11a: {  	v5 =	vmul.f32 $8.000000000e+00, v7;
	v7 =	vld [tilespmem:s7+$0x20];
	[tilespmem:s9+$0x90] =	vst v0  }
0x11b: {  	v0 =	vld [tilespmem:s7+$0xA0];
	[tilespmem:s9+$0x110] =	vst v4;
	v2 =	vmul.f32 $8.000000000e+00, v2  }
0x11c: {  	[tilespmem:s9+$0xFFFFFE10] =	vst v5;
	v3 =	vmul.f32 $8.000000000e+00, v3;
	v4 =	vld [tilespmem:s7+$0x120]  }
0x11d: {  	v5 =	vld [tilespmem:s7+$0xFFFFFE20];
	v6 =	vmul.f32 $8.000000000e+00, v6;
	[tilespmem:s9+$0x1A0] =	vst v2  }
0x11e: {  	[tilespmem:s9+$0xFFFFFEA0] =	vst v3;
	v1 =	vmul.f32 $8.000000000e+00, v1;
	v3 =	vld [tilespmem:s7+$0x1B0]  }
0x11f: {  	v8 =	vld [tilespmem:s7+$0xFFFFFEB0];
	[tilespmem:s9+$0xFFFFFF20] =	vst v6;
	v2 =	vmul.f32 $8.000000000e+00, v7  }
0x120: {  	v7 =	vld [tilespmem:s7+$0xFFFFFF30];
	[tilespmem:s9+$0xFFFFFFA0] =	vst v1;
	v1 =	vmul.f32 $8.000000000e+00, v0  }
.Ltmp5:
0x121: {  	v0 =	vld [tilespmem:s7+$0xFFFFFFB0];
	[tilespmem:s9+$0x20] =	vst v2;
	v4 =	vmul.f32 $8.000000000e+00, v4;
	(pc) =	sbr.rel @p1 .LBB2_11-.Ltmp5, $4  }
0x122: {  	v5 =	vmul.f32 $8.000000000e+00, v5;
	v2 =	vld [tilespmem:s7+$0x30];
	[tilespmem:s9+$0xA0] =	vst v1  }
0x123: {  	v1 =	vld [tilespmem:s7+$0xB0];
	[tilespmem:s9+$0x120] =	vst v4;
	v9 =	vmul.f32 $8.000000000e+00, v3  }
0x124: {  	[tilespmem:s9+$0xFFFFFE20] =	vst v5;
	v6 =	vmul.f32 $8.000000000e+00, v8;
	v3 =	vld [tilespmem:s7+$0x130]  }
0x125: {  	v4 =	vld [tilespmem:s7+$0xFFFFFE30];
	v5 =	vmul.f32 $8.000000000e+00, v7;
	[tilespmem:s9+$0x1B0] =	vst v9;
	s7 =	sadd.s32 $0x400, s7  }
0x126: {  	[tilespmem:s9+$0xFFFFFEB0] =	vst v6;
	v0 =	vmul.f32 $8.000000000e+00, v0  }
0x127: {  	[tilespmem:s9+$0xFFFFFF30] =	vst v5;
	v2 =	vmul.f32 $8.000000000e+00, v2  }
0x128: {  	[tilespmem:s9+$0xFFFFFFB0] =	vst v0;
	v0 =	vmul.f32 $8.000000000e+00, v1  }
0x129: {  	[tilespmem:s9+$0x30] =	vst v2;
	v1 =	vmul.f32 $8.000000000e+00, v3  }
0x12a: {  	s7 =	sadd.s32 s8, s14;
	v2 =	vmul.f32 $8.000000000e+00, v4;
	[tilespmem:s9+$0xB0] =	vst v0  }
0x12b: {  	s7 =	sshll.u32 s7, $0x4;
	[tilespmem:s9+$0x130] =	vst v1  }
0x12c: {  	s7 =	sadd.s32 s6, s7;
	[tilespmem:s9+$0xFFFFFE30] =	vst v2  }
0x12d: {  	[hbm4b:s7+s3] =	stream.linear.scatter [tilespmem:s28], [sflag:$0x5], $0x5000, $0x38;
	[tilespmem:$0x1E400] =	vst v63  }
0x12e: {  	s7 =	sadd.s32 @!p0 s8, s15  }
0x12f: {  	s7 =	sshrl.u32 @!p0 s7, $0x3  }
0x130: {  	s9 =	simm.s32 @!p0 $0x200;
	s8 =	simm.s32 @!p0 $0x0;
	s7 =	sadd.s32 @!p0 s2, s7  }
0x131: {  	[tilespmem:s9], [sflag:$0x7] =	stream.linear.gather @!p0 [hbm4b:s7+s8], $0xA0, $0x38;
	[tilespmem:$0x1E400] =	vst v63  }
0x132: {  	s7 =	simm.s32 @!p0 $0x7  }
0x133: {  	_ =	swait.ge @!p0 [sflag:s7], $0xA0  }
0x134: {  	[sflag:s7] =	ssyncset.done @!p0 $0x0  }
0x135: {  	s8 =	simm.s32 @!p0 $0xA400;
	[sflag:s7] =	ssyncadd.s32 @!p0 $0xFFFFFF60;
	s7 =	simm.s32 @!p0 $0xA0  }
0x136: {  	[tilespmem:s8], [sflag:$0x3] =	stream.indirect.gather @!p0 [hbm4b:s5+s7], $0x80, s9, s7, $0xb8;
	[tilespmem:$0x1E400] =	vst v63  }
0x137: {  	_ =	swait.ge [sflag:s21], $0x5000  }
0x138: {  	[sflag:s21] =	ssyncset.done $0x0  }
0x139: {  	[sflag:s21] =	ssyncadd.s32 $0xFFFFB000  }
0x13a: {  	_ =	swait.ge [sflag:s30], $0x5000  }
0x13b: {  	[sflag:s30] =	ssyncset.done $0x0  }
0x13c: {  	s16 =	simm.s32 $0xF600;
	[sflag:s30] =	ssyncadd.s32 $0xFFFFB000  }
0x13d: {  	v0 =	vld [tilespmem:s16+$0x180]  }
0x13e: {  	v1 =	vld [tilespmem:s16+$0xFFFFFE80]  }
0x13f: {  	v2 =	vld [tilespmem:s16+$0xFFFFFF00]  }
0x140: {  	v3 =	vld [tilespmem:s16+$0xFFFFFF80]  }
0x141: {  	v4 =	vld [tilespmem:s16+$0x0]  }
0x142: {  	v5 =	vld [tilespmem:s16+$0x80];
	v0 =	vmul.f32 $8.000000000e+00, v0  }
0x143: {  	s8 =	simm.s32 $0x19600;
	v6 =	vld [tilespmem:s16+$0x100];
	v1 =	vmul.f32 $8.000000000e+00, v1  }
0x144: {  	v7 =	vld [tilespmem:s16+$0xFFFFFE00];
	v2 =	vmul.f32 $8.000000000e+00, v2;
	[tilespmem:s8+$0x180] =	vst v0  }
0x145: {  	[tilespmem:s8+$0xFFFFFE80] =	vst v1;
	v0 =	vmul.f32 $8.000000000e+00, v3;
	v1 =	vld [tilespmem:s16+$0x190]  }
0x146: {  	[tilespmem:s8+$0xFFFFFF00] =	vst v2;
	v2 =	vmul.f32 $8.000000000e+00, v4;
	v3 =	vld [tilespmem:s16+$0xFFFFFE90]  }
0x147: {  	v4 =	vld [tilespmem:s16+$0xFFFFFF10];
	[tilespmem:s8+$0xFFFFFF80] =	vst v0;
	v0 =	vmul.f32 $8.000000000e+00, v5  }
0x148: {  	[tilespmem:s8+$0x0] =	vst v2;
	v2 =	vmul.f32 $8.000000000e+00, v6;
	v5 =	vld [tilespmem:s16+$0xFFFFFF90]  }
0x149: {  	v6 =	vmul.f32 $8.000000000e+00, v7;
	v7 =	vld [tilespmem:s16+$0x10];
	[tilespmem:s8+$0x80] =	vst v0  }
0x14a: {  	[tilespmem:s8+$0x100] =	vst v2;
	v0 =	vld [tilespmem:s16+$0x90];
	v1 =	vmul.f32 $8.000000000e+00, v1  }
0x14b: {  	[tilespmem:s8+$0xFFFFFE00] =	vst v6;
	v2 =	vmul.f32 $8.000000000e+00, v3;
	v3 =	vld [tilespmem:s16+$0x110]  }
0x14c: {  	v6 =	vld [tilespmem:s16+$0xFFFFFE10];
	v4 =	vmul.f32 $8.000000000e+00, v4;
	[tilespmem:s8+$0x190] =	vst v1  }
0x14d: {  	[tilespmem:s8+$0xFFFFFE90] =	vst v2;
	v1 =	vmul.f32 $8.000000000e+00, v5;
	v2 =	vld [tilespmem:s16+$0x1A0]  }
0x14e: {  	[tilespmem:s8+$0xFFFFFF10] =	vst v4;
	v4 =	vmul.f32 $8.000000000e+00, v7;
	v5 =	vld [tilespmem:s16+$0xFFFFFEA0]  }
0x14f: {  	v7 =	vld [tilespmem:s16+$0xFFFFFF20];
	[tilespmem:s8+$0xFFFFFF90] =	vst v1;
	v0 =	vmul.f32 $8.000000000e+00, v0  }
0x150: {  	[tilespmem:s8+$0x10] =	vst v4;
	v1 =	vld [tilespmem:s16+$0xFFFFFFA0];
	v3 =	vmul.f32 $8.000000000e+00, v3  }
0x151: {  	v4 =	vmul.f32 $8.000000000e+00, v6;
	v6 =	vld [tilespmem:s16+$0x20];
	[tilespmem:s8+$0x90] =	vst v0  }
0x152: {  	v0 =	vld [tilespmem:s16+$0xA0];
	[tilespmem:s8+$0x110] =	vst v3;
	v2 =	vmul.f32 $8.000000000e+00, v2  }
0x153: {  	[tilespmem:s8+$0xFFFFFE10] =	vst v4;
	v3 =	vmul.f32 $8.000000000e+00, v5;
	v4 =	vld [tilespmem:s16+$0x120]  }
0x154: {  	v5 =	vld [tilespmem:s16+$0xFFFFFE20];
	v7 =	vmul.f32 $8.000000000e+00, v7;
	[tilespmem:s8+$0x1A0] =	vst v2  }
0x155: {  	[tilespmem:s8+$0xFFFFFEA0] =	vst v3;
	v1 =	vmul.f32 $8.000000000e+00, v1;
	v3 =	vld [tilespmem:s16+$0x1B0]  }
0x156: {  	[tilespmem:s8+$0xFFFFFF20] =	vst v7;
	v2 =	vmul.f32 $8.000000000e+00, v6;
	v8 =	vld [tilespmem:s16+$0xFFFFFEB0]  }
0x157: {  	v7 =	vld [tilespmem:s16+$0xFFFFFF30];
	[tilespmem:s8+$0xFFFFFFA0] =	vst v1;
	v1 =	vmul.f32 $8.000000000e+00, v0  }
0x158: {  	[tilespmem:s8+$0x20] =	vst v2;
	v0 =	vld [tilespmem:s16+$0xFFFFFFB0];
	v4 =	vmul.f32 $8.000000000e+00, v4  }
0x159: {  	v5 =	vmul.f32 $8.000000000e+00, v5;
	v2 =	vld [tilespmem:s16+$0x30];
	[tilespmem:s8+$0xA0] =	vst v1  }
0x15a: {  	v1 =	vld [tilespmem:s16+$0xB0];
	[tilespmem:s8+$0x120] =	vst v4;
	v9 =	vmul.f32 $8.000000000e+00, v3  }
0x15b: {  	[tilespmem:s8+$0xFFFFFE20] =	vst v5;
	v3 =	vld [tilespmem:s16+$0x130];
	v6 =	vmul.f32 $8.000000000e+00, v8  }
0x15c: {  	s9 =	simm.s32 $0x0;
	s7 =	simm.s32 $0xFA00;
	v4 =	vld [tilespmem:s16+$0xFFFFFE30];
	v5 =	vmul.f32 $8.000000000e+00, v7;
	[tilespmem:s8+$0x1B0] =	vst v9  }
.LBB2_13:
0x15d: {  	v7 =	vld [tilespmem:s7+$0x180];
	s9 =	sadd.s32 $0x8, s9;
	[tilespmem:s8+$0xFFFFFEB0] =	vst v6;
	v0 =	vmul.f32 $8.000000000e+00, v0  }
0x15e: {  	v6 =	vld [tilespmem:s7+$0xFFFFFE80];
	p0 =	slt.u32 s9, $0x98;
	[tilespmem:s8+$0xFFFFFF30] =	vst v5;
	v2 =	vmul.f32 $8.000000000e+00, v2  }
0x15f: {  	v5 =	vld [tilespmem:s7+$0xFFFFFF00];
	[tilespmem:s8+$0xFFFFFFB0] =	vst v0;
	v0 =	vmul.f32 $8.000000000e+00, v1  }
0x160: {  	v1 =	vld [tilespmem:s7+$0xFFFFFF80];
	[tilespmem:s8+$0x30] =	vst v2;
	v2 =	vmul.f32 $8.000000000e+00, v3  }
0x161: {  	v3 =	vld [tilespmem:s7+$0x0];
	v4 =	vmul.f32 $8.000000000e+00, v4;
	[tilespmem:s8+$0xB0] =	vst v0  }
0x162: {  	v0 =	vld [tilespmem:s7+$0x80];
	v7 =	vmul.f32 $8.000000000e+00, v7;
	[tilespmem:s8+$0x130] =	vst v2  }
0x163: {  	v2 =	vmul.f32 $8.000000000e+00, v6;
	v6 =	vld [tilespmem:s7+$0x100];
	[tilespmem:s8+$0xFFFFFE30] =	vst v4;
	s8 =	sadd.s32 $0x400, s8  }
0x164: {  	v4 =	vld [tilespmem:s7+$0xFFFFFE00];
	v5 =	vmul.f32 $8.000000000e+00, v5;
	[tilespmem:s8+$0x180] =	vst v7  }
0x165: {  	[tilespmem:s8+$0xFFFFFE80] =	vst v2;
	v1 =	vmul.f32 $8.000000000e+00, v1;
	v2 =	vld [tilespmem:s7+$0x190]  }
0x166: {  	v7 =	vld [tilespmem:s7+$0xFFFFFE90];
	[tilespmem:s8+$0xFFFFFF00] =	vst v5;
	v3 =	vmul.f32 $8.000000000e+00, v3  }
0x167: {  	v5 =	vld [tilespmem:s7+$0xFFFFFF10];
	[tilespmem:s8+$0xFFFFFF80] =	vst v1;
	v0 =	vmul.f32 $8.000000000e+00, v0  }
0x168: {  	v1 =	vld [tilespmem:s7+$0xFFFFFF90];
	[tilespmem:s8+$0x0] =	vst v3;
	v3 =	vmul.f32 $8.000000000e+00, v6  }
0x169: {  	v4 =	vmul.f32 $8.000000000e+00, v4;
	v6 =	vld [tilespmem:s7+$0x10];
	[tilespmem:s8+$0x80] =	vst v0  }
0x16a: {  	v0 =	vld [tilespmem:s7+$0x90];
	[tilespmem:s8+$0x100] =	vst v3;
	v2 =	vmul.f32 $8.000000000e+00, v2  }
0x16b: {  	[tilespmem:s8+$0xFFFFFE00] =	vst v4;
	v3 =	vmul.f32 $8.000000000e+00, v7;
	v4 =	vld [tilespmem:s7+$0x110]  }
0x16c: {  	v7 =	vld [tilespmem:s7+$0xFFFFFE10];
	v5 =	vmul.f32 $8.000000000e+00, v5;
	[tilespmem:s8+$0x190] =	vst v2  }
0x16d: {  	[tilespmem:s8+$0xFFFFFE90] =	vst v3;
	v1 =	vmul.f32 $8.000000000e+00, v1;
	v2 =	vld [tilespmem:s7+$0x1A0]  }
0x16e: {  	v3 =	vld [tilespmem:s7+$0xFFFFFEA0];
	[tilespmem:s8+$0xFFFFFF10] =	vst v5;
	v5 =	vmul.f32 $8.000000000e+00, v6  }
0x16f: {  	v6 =	vld [tilespmem:s7+$0xFFFFFF20];
	[tilespmem:s8+$0xFFFFFF90] =	vst v1;
	v0 =	vmul.f32 $8.000000000e+00, v0  }
0x170: {  	v1 =	vld [tilespmem:s7+$0xFFFFFFA0];
	[tilespmem:s8+$0x10] =	vst v5;
	v4 =	vmul.f32 $8.000000000e+00, v4  }
0x171: {  	v5 =	vmul.f32 $8.000000000e+00, v7;
	v7 =	vld [tilespmem:s7+$0x20];
	[tilespmem:s8+$0x90] =	vst v0  }
0x172: {  	v0 =	vld [tilespmem:s7+$0xA0];
	[tilespmem:s8+$0x110] =	vst v4;
	v2 =	vmul.f32 $8.000000000e+00, v2  }
0x173: {  	[tilespmem:s8+$0xFFFFFE10] =	vst v5;
	v3 =	vmul.f32 $8.000000000e+00, v3;
	v4 =	vld [tilespmem:s7+$0x120]  }
0x174: {  	v5 =	vld [tilespmem:s7+$0xFFFFFE20];
	v6 =	vmul.f32 $8.000000000e+00, v6;
	[tilespmem:s8+$0x1A0] =	vst v2  }
0x175: {  	[tilespmem:s8+$0xFFFFFEA0] =	vst v3;
	v1 =	vmul.f32 $8.000000000e+00, v1;
	v3 =	vld [tilespmem:s7+$0x1B0]  }
0x176: {  	v8 =	vld [tilespmem:s7+$0xFFFFFEB0];
	[tilespmem:s8+$0xFFFFFF20] =	vst v6;
	v2 =	vmul.f32 $8.000000000e+00, v7  }
0x177: {  	v7 =	vld [tilespmem:s7+$0xFFFFFF30];
	[tilespmem:s8+$0xFFFFFFA0] =	vst v1;
	v1 =	vmul.f32 $8.000000000e+00, v0  }
.Ltmp6:
0x178: {  	v0 =	vld [tilespmem:s7+$0xFFFFFFB0];
	[tilespmem:s8+$0x20] =	vst v2;
	v4 =	vmul.f32 $8.000000000e+00, v4;
	(pc) =	sbr.rel @p0 .LBB2_13-.Ltmp6, $4  }
0x179: {  	v5 =	vmul.f32 $8.000000000e+00, v5;
	v2 =	vld [tilespmem:s7+$0x30];
	[tilespmem:s8+$0xA0] =	vst v1  }
0x17a: {  	v1 =	vld [tilespmem:s7+$0xB0];
	[tilespmem:s8+$0x120] =	vst v4;
	v9 =	vmul.f32 $8.000000000e+00, v3  }
0x17b: {  	[tilespmem:s8+$0xFFFFFE20] =	vst v5;
	v6 =	vmul.f32 $8.000000000e+00, v8;
	v3 =	vld [tilespmem:s7+$0x130]  }
0x17c: {  	v4 =	vld [tilespmem:s7+$0xFFFFFE30];
	v5 =	vmul.f32 $8.000000000e+00, v7;
	[tilespmem:s8+$0x1B0] =	vst v9;
	s7 =	sadd.s32 $0x400, s7  }
0x17d: {  	[tilespmem:s8+$0xFFFFFEB0] =	vst v6;
	v0 =	vmul.f32 $8.000000000e+00, v0  }
0x17e: {  	s20 =	sadd.s32 $0x1, s20;
	[tilespmem:s8+$0xFFFFFF30] =	vst v5;
	v2 =	vmul.f32 $8.000000000e+00, v2  }
0x17f: {  	p0 =	sne.s32 s20, $0x28;
	[tilespmem:s8+$0xFFFFFFB0] =	vst v0;
	v61 =	vmul.f32 $8.000000000e+00, v1  }
.Ltmp7:
0x180: {  	[tilespmem:s8+$0x30] =	vst v2;
	v62 =	vmul.f32 $8.000000000e+00, v3;
	(pc) =	sbr.rel @p0 .LBB2_2-.Ltmp7, $4  }
0x181: {  	v63 =	vmul.f32 $8.000000000e+00, v4;
	[tilespmem:s8+$0xB0] =	vst v61  }
0x182: {  	s7 =	sshll.u32 s22, $0x4;
	[tilespmem:s8+$0x130] =	vst v62  }
0x183: {  	s7 =	sadd.s32 s6, s7;
	[tilespmem:s8+$0xFFFFFE30] =	vst v63  }
0x184: {  	[hbm4b:s7+s3] =	stream.linear.scatter [tilespmem:s31], [sflag:$0x6], $0x5000, $0x38;
	[tilespmem:$0x1E400] =	vst v63  }
0x185: {  	_ =	swait.ge [sflag:s0], $0x5000  }
0x186: {  	[sflag:s0] =	ssyncset.done $0x0  }
0x187: {  	[sflag:s0] =	ssyncadd.s32 $0xFFFFB000  }
0x188: {  	_ =	swait.ge [sflag:s30], $0x5000  }
0x189: {  	s23 =	sadd.s32 $0x1, s23;
	s7 =	rddreg [dreg:$0x6]  }
0x18a: {  	p0 =	sne.s32 s23, s7  }
.Ltmp8:
0x18b: {  	_ = 	snop;
	(pc) =	sbr.rel @p0 .LBB2_1-.Ltmp8, $3  }
0x18c: {  	_ =	sdelay $0x1  }
0x18d: {  	[sflag:s30] =	ssyncset.done $0x0  }
0x18e: {  	[sflag:s30] =	ssyncadd.s32 $0xFFFFB000  }
0x18f: {  	_ =	sfence.sel $0x180000  }
0x190: {  	[bflag:$0x0] =	sbarrier.arrive $0xFFFF  }
0x191: {  	_ =	strace $0x90000047  }
0x192: {  	s0 =	stileid.u32;
	[bflag:$0x2] =	sbarrier.arrive $0xFFFF  }
0x193: {  	p0 =	sne.s32 s0, $0x0;
	s0 =	rddreg [dreg:$0x2]  }
0x194: {  	s0 =	sadd.s32 @!p0 $0x100000, s0  }
0x195: {  	[sflag:s0] =	ssyncadd.tile.s32 @!p0 $0x1;
	_ =	shalt  }
.Lfunc_end2:
_tile_overlayer_lowered:
.L_overlay_start_2:
0x196: {  	(tag) =	ssettag $0x2  }
0x197: {  	s0 =	rddreg [dreg:$0x0];
	s2 =	stileid.u32  }
0x198: {  	s1 =	rddreg [dreg:$0x1];
	p0 =	sne.s32 s2, $0x0  }
0x199: {  	s3 =	rddreg [dreg:$0x2];
	[bflag:$0x3] =	sbarrier.arrive $0xFFFF;
	s2 =	simm.s32 @!p0 $0x1C07  }
0x19a: {  	[timem:s3], [sflag:s2] =	dma.local @!p0 [hbm:s0], s1  }
0x19b: {  	s0 =	simm.s32 @!p0 $0x7  }
0x19c: {  	_ =	swait.ge @!p0 [sflag:s0], s1  }
0x19d: {  	s1 =	ssub.s32 @!p0 $0x0, s1;
	[sflag:s0] =	ssyncset.done @!p0 $0x0  }
0x19e: {  	[sflag:s0] =	ssyncadd.s32 @!p0 s1  }
0x19f: {  	[bflag:$0x3] =	sbarrier.arrive $0xFFFF  }
0x1a0: {  	_ =	shalt  }

// kernel: sparse-core-data-format-call.cloned.1.call-start
scs
called_computation_lowered:
.L_overlay_start_0:
0x0: {  	s2 =	sld [smem:$0x3FD9]  }
0x1: {  	s3 =	sld [smem:$0x3FFE];
	_ =	sdelay $0x1  }
0x2: {  	s1 =	srdreg.scid  }
0x3: {  	s0 =	sand.u32 $0x1, s1  }
0x4: {  	s18 =	sshll.u32 s0, $0xA;
	s2 =	sadd.s32 s3, s2  }
0x5: {  	s2 =	sadd.s32 s2, s18  }
0x6: {  	[smem:$0x3FC6] =	sst s2  }
0x7: {  	_ = 	snop  }
0x8: {  	s2 =	sld [smem:$0x3FD0];
	(tm) =	ssettm $0x1  }
0x9: {  	s19 =	sld [smem:$0x3FFB];
	_ =	sdelay $0x3  }
0xa: {  	_ =	strace s19  }
0xb: {  	s3 =	sld [smem:$0x3FFC];
	_ =	sdelay $0x3  }
0xc: {  	_ =	strace s3  }
0xd: {  	s3 =	sld [smem:$0x3FFD];
	_ =	sdelay $0x3  }
0xe: {  	_ =	strace s3  }
0xf: {  	_ =	strace $0x8FFFFFFF  }
0x10: {  	s20 =	sld [smem:$0x3FDB];
	_ =	sdelay $0x1  }
0x11: {  	s4 =	simm.s32 $_scs_section_size  }
0x12: {  	s5 =	simm.s32 $_size__tile_overlayer_lowered;
	s6 =	simm.s32 $_tile_overlayer_lowered  }
0x13: {  	s23 =	simm.s32 $0x1BFF;
	s22 =	sshll.u32 s6, $0x1;
	s3 =	sadd.s32 s4, s20  }
0x14: {  	s7 =	simm.s32 $0x0;
	s21 =	sshll.u32 s5, $0x1;
	s5 =	sadd.s32 s22, s3  }
0x15: {  	[timem:s7], [sflag:s23] =	dma.local [hbm:s5], s21  }
0x16: {  	_ =	swait.ge [sflag:s23], s21  }
0x17: {  	s4 =	ssub.s32 $0x0, s21;
	[sflag:s23] =	ssyncset.done $0x0  }
0x18: {  	[sflag:s23] =	ssyncadd.s32 s4;
	_ =	sdelay $0x1  }
0x19: {  	s24 =	simm.s32 $0x1B8B  }
0x1a: {  	_ =	swait.ge [sflag:s24], $0x1  }
0x1b: {  	[sflag:s24] =	ssyncset.done $0x0  }
0x1c: {  	s26 =	simm.s32 $0x1B8E;
	s25 =	sld [smem:$0x3FFE];
	[sflag:s24] =	ssyncadd.s32 $0xFFFFFFFF  }
0x1d: {  	s27 =	simm.s32 $execute0_lowered;
	[smem:$0x3FD2] =	sst s26  }
0x1e: {  	s5 =	sshll.u32 s27, $0x1;
	_ =	strace $0x80000049;
	[dreg:$0x1] =	wrdreg $0xFFFFFFFF  }
0x1f: {  	s28 =	simm.s32 $_size_execute0_lowered;
	s3 =	sadd.s32 s3, s5;
	[dreg:$0x0] =	wrdreg $0x0  }
0x20: {  	s5 =	sshll.u32 s28, $0x1;
	[dreg:$0x2] =	wrdreg s3  }
0x21: {  	[dreg:$0x3] =	wrdreg s5  }
0x22: {  	[dreg:$0x4] =	wrdreg $0xC0  }
0x23: {  	_ =	task [dreg:s7], $0x5FFFF  }
0x24: {  	[dreg:$0x1] =	wrdreg $0xFFFFFFFF  }
0x25: {  	[dreg:$0x0] =	wrdreg $0x60  }
0x26: {  	[dreg:$0x2] =	wrdreg s25  }
0x27: {  	[dreg:$0x3] =	wrdreg s2  }
0x28: {  	[dreg:$0x4] =	wrdreg $0x9  }
0x29: {  	_ =	task.clear_ibuf [dreg:s7], $0x5FFFF;
	_ =	strace $0x90000049  }
0x2a: {  	s29 =	simm.s32 $0x9;
	_ =	strace $0x8000004B  }
0x2b: {  	_ =	swait.ge [sflag:s29], $0x1  }
0x2c: {  	[sflag:s29] =	ssyncadd.s32 $0xFFFFFFFF  }
0x2d: {  	_ =	strace $0x9000004B  }
0x2e: {  	_ =	sfence  }
0x2f: {  	s30 =	sld [smem:$0x0];
	_ =	sdelay $0x2  }
0x30: {  	s31 =	sshll.u32 s1, $0xD;
	s1 =	sshrl.u32 s1, $0x2  }
0x31: {  	s3 =	sand.u32 $0x4000, s31;
	s1 =	sadd.s32 s1, s30  }
0x32: {  	s0 =	sor.u32 s3, s0;
	s1 =	sshll.u32 s1, $0x11  }
0x33: {  	s0 =	sor.u32 s1, s0  }
0x34: {  	s0 =	sadd.s32 $0x8F2B, s0  }
0x35: {  	[sflag:s0] =	ssyncadd.remote.s32 $0x1  }
0x36: {  	_ =	sfence.sel $0xFFFF  }
0x37: {  	[dreg:$0x0] =	wrdreg $0xFFFFFFFF;
	(pc) =	sbr.abs _section_cstart, $3  }
0x38: {  	[dreg:$0x1] =	wrdreg $0xFFFFFFFF  }
0x39: {  	_ =	task.clear_ibuf [dreg:s7], $0x2FFFF;
	_ =	strace $0x9FFFFFFF  }
0x3a: {  	(tm) =	ssettm $0x7FFFFFFF  }
0x3b: {  	_ =	shalt  }
tec
execute0_lowered:
.L_overlay_start_1:
0x0: {  	(tag) =	ssettag $0x1  }
0x1: {  	s0 =	srdreg.scid  }
0x2: {  	s1 =	sshll.u32 s0, $0x4  }
0x3: {  	s0 =	stileid.u32;
	s1 =	sand.u32 $0x10, s1  }
0x4: {  	s1 =	sor.u32 s0, s1  }
0x5: {  	s6 =	rddreg [dreg:$0x0];
	s4 =	simm.s32 $0x1;
	s2 =	sshll.u32 s1, $0x7  }
0x6: {  	s7 =	simm.s32 $0x2;
	s12 =	simm.s32 $0x0;
	s1 =	ssub.s32 $0x1000, s2  }
0x7: {  	s8 =	simm.s32 $0x8000;
	s13 =	simm.s32 $0x0;
	s3 =	sand.u32 $0xF80, s1  }
0x8: {  	s9 =	simm.s32 $0x0;
	s5 =	sshrl.u32 s1, $0xC;
	p0 =	sne.s32 s3, $0x0  }
.Ltmp0:
0x9: {  	s1 =	rddreg [dreg:$0x2];
	s4 =	simm.s32 @!p0 $0x0;
	(pc) =	sbr.rel .LBB1_1-.Ltmp0, $4  }
0xa: {  	s11 =	simm.s32 $0x0;
	s3 =	rddreg [dreg:$0x1];
	s5 =	sadd.s32 s4, s5  }
0xb: {  	_ =	strace $0x8000004A;
	s4 =	simm.s32 $0x1;
	s5 =	smul.u32 $0xC8, s5  }
0xc: {  	s6 =	sadd.s32 $0xA00, s6;
	s10 =	smov.u32 s2;
	[sflag:s4] =	ssyncpa.u1 $0x0  }
0xd: {  	p0 =	por $0x0, $0x0;
	[sflag:s7] =	ssyncpa.u1 $0x0;
	s7 =	sor.u32 $0x1, s5  }
.LBB1_4:
0xe: {  	s16 =	sshll.u32 s13, $0x3;
	s17 =	sand.u32 $0x78, s13  }
0xf: {  	s30 =	sand.u32 $0x7E00, s13;
	s12 =	sshll.u32 s12, $0xF;
	s16 =	sand.u32 $0xC00, s16  }
0x10: {  	[tilespmem:s15+$0x810 ss:$0x81] =	vst.msk $0xffff, v2;
	s31 =	sand.u32 $0x7, s13;
	s16 =	sor.u32 s17, s16;
	s17 =	sadd.s32 s3, s30  }
0x11: {  	[tilespmem:s15+$0x1020 ss:$0x81] =	vst.msk $0xffff, v0;
	s13 =	sshll.u32 s31, $0x12;
	s12 =	sadd.s32 s12, s17;
	s16 =	sshrl.u32 s16, $0x3  }
0x12: {  	[tilespmem:s15+$0x0 ss:$0x81] =	vst.msk $0xffff, v1;
	s13 =	sor.u32 $0x400, s13;
	s12 =	sadd.s32 s16, s12  }
0x13: {  	[hbm4b:s12+s13] =	stream.strided.scatter [tilespmem:s14], [sflag:$0x2], $0x2000, s8, s13, $0x20;
	[tilespmem:$0x8080] =	vst v63  }
.LBB1_5:
0x14: {  	s14 =	sadd.s32 $0x1, s9  }
0x15: {  	s12 =	sadd.s32 $0x1000, s10;
	s16 =	smov.u32 s10;
	p2 =	sgt.s32 s14, $0xC7  }
0x16: {  	s16 =	smov.u32 @p2 s12  }
0x17: {  	s14 =	simm.s32 @p2 $0x0;
	p2 =	sgt.s32 s16, $0xFFF  }
0x18: {  	s16 =	smov.u32 @p2 s2;
	p2 =	sne.s32 s11, s7  }
.Ltmp1:
0x19: {  	p1 =	slt.u32 s11, $0x2;
	(pc) =	sbr.rel @!p2 .LBB1_6-.Ltmp1, $4  }
0x1a: {  	s15 =	simm.s32 @!p1 $0x2  }
0x1b: {  	s13 =	smov.u32 s10;
	p0 =	por !p0, !p0;
	_ =	swait.ge @!p1 [sflag:s15], $0x2000  }
0x1c: {  	s12 =	smov.u32 s9;
	[sflag:s15] =	ssyncset.done @!p1 $0x0;
	s9 =	smov.u32 s14  }
0x1d: {  	s11 =	sadd.s32 $0x1, s11;
	[sflag:s15] =	ssyncadd.s32 @!p1 $0xFFFFE000;
	s10 =	smov.u32 s16  }
.LBB1_1:
0x1e: {  	p1 =	sge.u32 s11, s5  }
0x1f: {  	s14 =	sand.u32 @!p1 $0x1FFFFFF, s9  }
0x20: {  	s15 =	smulhi.u32 @!p1 $0x147AE15, s14;
	_ =	sdelay $0x1  }
0x21: {  	s15 =	smul.u32 @!p1 $0xC8, s15  }
0x22: {  	s16 =	sxor.u32 @!p1 $0xFFFFFFFF, s11;
	s17 =	smul.u32 @!p1 $0xC80, s10  }
0x23: {  	s31 =	sadd.s32 $0xFFFFFFFF, s11;
	s16 =	sshll.u32 @!p1 s16, $0xD;
	s14 =	ssub.s32 @!p1 s14, s15  }
0x24: {  	s15 =	sand.u32 @!p1 $0x2000, s16;
	s16 =	sadd.s32 @!p1 s6, s17;
	s14 =	sshll.u32 @!p1 s14, $0x4  }
0x25: {  	s17 =	simm.s32 @!p1 $0x6400;
	s14 =	sadd.s32 @!p1 s14, s16;
	s16 =	simm.s32 @!p1 $0x40  }
0x26: {  	[tilespmem:s15], [sflag:$0x1] =	stream.strided.gather @!p1 [hbm4b:s14+s16], $0x2000, s17, s16, $0x38;
	[tilespmem:$0x8080] =	vst v63  }
0x27: {  	p1 =	sge.u32 s31, s5  }
.Ltmp2:
0x28: {  	_ = 	snop;
	(pc) =	sbr.rel @p1 .LBB1_5-.Ltmp2, $1  }
0x29: {  	_ =	sdelay $0x3  }
0x2a: {  	s14 =	simm.s32 $0x1  }
0x2b: {  	_ =	swait.ge [sflag:s4], $0x2000;
	s14 =	simm.s32 @!p0 $0x0  }
0x2c: {  	[sflag:s4] =	ssyncset.done $0x0;
	s15 =	sshll.u32 s14, $0xD  }
0x2d: {  	[sflag:s4] =	ssyncadd.s32 $0xFFFFE000;
	s18 =	sor.u32 $0x20, s15  }
0x2e: {  	s14 =	smul.u32 $0x8100, s14;
	v3 =	vld [tilespmem:s18+$0x10]  }
0x2f: {  	s30 =	sand.u32 $0x1, s11;
	v2 =	vld [tilespmem:s18+$0xFFFFFFF0]  }
0x30: {  	s15 =	smul.u32 $0x8100, s30;
	s14 =	sshrl.u32 s14, $0x2;
	v0 =	vld [tilespmem:s18+$0x0]  }
0x31: {  	v1 =	vld [tilespmem:s18+$0xFFFFFFE0];
	s16 =	sor.u32 $0x4000, s14  }
0x32: {  	s31 =	sshrl.u32 s15, $0x2;
	s15 =	sadd.s32 $0x0, s16  }
0x33: {  	s17 =	simm.s32 $0x4;
	s18 =	sadd.s32 $0x40, s18;
	s14 =	sor.u32 $0x4000, s31;
	[tilespmem:s15+$0x1830 ss:$0x81] =	vst.msk $0xffff, v3  }
.LBB1_3:
0x34: {  	v3 =	vld [tilespmem:s18+$0x10];
	p1 =	sne.s32 s17, $0x1FC;
	[tilespmem:s15+$0x810 ss:$0x81] =	vst.msk $0xffff, v2;
	s19 =	smov.u32 s17;
	s17 =	sadd.s32 $0x4, s17  }
.Ltmp3:
0x35: {  	v2 =	vld [tilespmem:s18+$0xFFFFFFF0];
	[tilespmem:s15+$0x1020 ss:$0x81] =	vst.msk $0xffff, v0;
	(pc) =	sbr.rel @p1 .LBB1_3-.Ltmp3, $4  }
0x36: {  	v0 =	vld [tilespmem:s18+$0x0];
	[tilespmem:s15+$0x0 ss:$0x81] =	vst.msk $0xffff, v1  }
0x37: {  	s15 =	sshra.s32 s19, $0x2;
	v1 =	vld [tilespmem:s18+$0xFFFFFFE0]  }
0x38: {  	s15 =	sadd.s32 s15, s16  }
0x39: {  	s18 =	sadd.s32 $0x40, s18;
	[tilespmem:s15+$0x1830 ss:$0x81] =	vst.msk $0xffff, v3  }
.Ltmp4:
0x3a: {  	_ = 	snop;
	(pc) =	sbr.rel .LBB1_4-.Ltmp4, $1  }
0x3b: {  	_ =	sdelay $0x3  }
.LBB1_6:
0x3c: {  	_ =	sfence.sel $0x180000  }
0x3d: {  	s2 =	simm.s32 $0x1;
	[bflag:$0x0] =	sbarrier.arrive $0xFFFF  }
0x3e: {  	s31 =	simm.s32 $0x2;
	[sflag:s2] =	ssyncpa.u1 $0x1  }
0x3f: {  	[sflag:s31] =	ssyncpa.u1 $0x1  }
0x40: {  	p0 =	sne.s32 s0, $0x0;
	_ =	strace $0x9000004A  }
0x41: {  	s0 =	sadd.s32 @!p0 $0x100000, s1;
	[bflag:$0x2] =	sbarrier.arrive $0xFFFF  }
0x42: {  	[sflag:s0] =	ssyncadd.tile.s32 @!p0 $0x1;
	_ =	shalt  }
.Lfunc_end1:
_tile_overlayer_lowered:
.L_overlay_start_2:
0x43: {  	(tag) =	ssettag $0x2  }
0x44: {  	s0 =	rddreg [dreg:$0x0];
	s2 =	stileid.u32  }
0x45: {  	s1 =	rddreg [dreg:$0x1];
	p0 =	sne.s32 s2, $0x0  }
0x46: {  	s3 =	rddreg [dreg:$0x2];
	[bflag:$0x3] =	sbarrier.arrive $0xFFFF;
	s2 =	simm.s32 @!p0 $0x1C01  }
0x47: {  	[timem:s3], [sflag:s2] =	dma.local @!p0 [hbm:s0], s1  }
0x48: {  	s0 =	simm.s32 @!p0 $0x1  }
0x49: {  	_ =	swait.ge @!p0 [sflag:s0], s1  }
0x4a: {  	s1 =	ssub.s32 @!p0 $0x0, s1;
	[sflag:s0] =	ssyncset.done @!p0 $0x0  }
0x4b: {  	[sflag:s0] =	ssyncadd.s32 @!p0 s1  }
0x4c: {  	[bflag:$0x3] =	sbarrier.arrive $0xFFFF  }
0x4d: {  	_ =	shalt  }

</sc_bundles>
